<compile_context>
chip_gen: v7x
topology: tpu7x:2x2x1
jax: 0.10.2.dev20260603
libtpu: 0.0.44.dev20260713+nightly
codegen_flags: <defaults>
</compile_context>

<pallas_src>
import functools

import jax
import jax.numpy as jnp
from jax import lax
from jax.experimental import pallas as pl
from jax.experimental.pallas import tpu as pltpu
from jax.experimental.pallas import tpu_sc as plsc

_BATCH = 1024
_SEQ = 200
_HID = 128
_NW = 32
_BATCH_PER_W = _BATCH // _NW
_CHUNK = 100
_NCHUNK = _BATCH * _SEQ // _CHUNK
_CHUNKS_PER_W = _NCHUNK // _NW
_LANES = 16

_mesh = plsc.VectorSubcoreMesh(core_axis_name="c", subcore_axis_name="s")


@functools.partial(
    pl.kernel,
    mesh=_mesh,
    out_type=jax.ShapeDtypeStruct((_BATCH, _SEQ, _HID), jnp.float32),
    scratch_types=[
        pltpu.VMEM((_CHUNKS_PER_W, _CHUNK), jnp.int32),
        pltpu.VMEM((_SEQ, _HID), jnp.float32),
        pltpu.VMEM((_CHUNK, _HID), jnp.float32),
        pltpu.VMEM((_CHUNK, _HID), jnp.float32),
        pltpu.VMEM((_SEQ, _HID), jnp.float32),
        pltpu.VMEM((_SEQ, _HID), jnp.float32),
        pltpu.SemaphoreType.DMA,
        pltpu.SemaphoreType.DMA,
        pltpu.SemaphoreType.DMA,
        pltpu.SemaphoreType.DMA,
    ],
)
def _emb_lookup(x_hbm, emb_hbm, pos_hbm, out_hbm,
                idx_v, pos_v, in0, in1, out0, out1, g0, g1, w0, w1):
    wid = lax.axis_index("s") * 2 + lax.axis_index("c")
    bbase = wid * _BATCH_PER_W
    cbase = wid * _CHUNKS_PER_W
    pltpu.sync_copy(x_hbm.at[pl.ds(cbase, 8)], idx_v.at[pl.ds(0, 8)])

    def gather(c, buf, sem):
        pltpu.async_copy(emb_hbm.at[idx_v.at[c]], buf, sem)

    def gather_wait(buf, sem):
        pltpu.make_async_copy(emb_hbm.at[idx_v.at[0]], buf, sem).wait()

    def writeback(b, buf, sem):
        pltpu.async_copy(buf, out_hbm.at[bbase + b], sem)

    def writeback_wait(buf, sem):
        pltpu.make_async_copy(buf, out_hbm.at[bbase], sem).wait()

    def add_pos(src, dst, half):
        off = half * _CHUNK

        def row(l, c):
            for j in range(_HID // _LANES):
                sl = pl.ds(j * _LANES, _LANES)
                dst[off + l, sl] = src[l, sl] + pos_v[off + l, sl]
            return c
        lax.fori_loop(0, _CHUNK, row, 0)

    gather(0, in0, g0)
    gather(1, in1, g1)
    pltpu.sync_copy(
        x_hbm.at[pl.ds(cbase + 8, _CHUNKS_PER_W - 8)],
        idx_v.at[pl.ds(8, _CHUNKS_PER_W - 8)])
    pltpu.sync_copy(pos_hbm, pos_v)

    def seq_sub(t, b, obuf, wsem, guard_next):
        gather_wait(in0, g0)

        @pl.when(t > 0)
        def _():
            writeback_wait(obuf, wsem)

        add_pos(in0, obuf, 0)

        @pl.when(guard_next)
        def _():
            gather(2 * b + 2, in0, g0)

        gather_wait(in1, g1)
        add_pos(in1, obuf, 1)

        @pl.when(guard_next)
        def _():
            gather(2 * b + 3, in1, g1)

        writeback(b, obuf, wsem)

    def pair_body(t, carry):
        b0 = 2 * t
        seq_sub(t, b0, out0, w0, True)
        seq_sub(t, b0 + 1, out1, w1, t < _BATCH_PER_W // 2 - 1)
        return carry

    lax.fori_loop(0, _BATCH_PER_W // 2, pair_body, 0)

    writeback_wait(out0, w0)
    writeback_wait(out1, w1)


def kernel(x, emb_table, pos_table):
    x2 = x.astype(jnp.int32).reshape(_NCHUNK, _CHUNK)
    return _emb_lookup(x2, emb_table, pos_table)

# --- scband reference (transcript-rebuilt; emitter-appended) ---
"""Pipeline reference for scband-token-embedding-64716567216429 (READ-ONLY COPY).

The authoritative reference and input builder live on the scoring server;
editing this copy changes nothing except your own understanding.
"""

import jax, jax.numpy as jnp
import numpy as np

NUM_VOCAB = 100000
MAXLEN = 200
NUM_HID = 128
BATCH = 1024
SEQ = 200


def setup_inputs(seed: int = 0) -> dict:
    key = jax.random.key(seed)
    k1, k2, k3 = jax.random.split(key, 3)
    x = jax.random.randint(k1, (BATCH, SEQ), 0, NUM_VOCAB, dtype=jnp.int64 if jax.config.jax_enable_x64 else jnp.int32)
    emb_table = jax.random.normal(k2, (NUM_VOCAB, NUM_HID), dtype=jnp.float32) * 0.02
    pos_table = jax.random.normal(k3, (MAXLEN, NUM_HID), dtype=jnp.float32) * 0.02
    return {"x": x, "emb_table": emb_table, "pos_table": pos_table}


def reference(x, emb_table, pos_table):
    # token embedding gather
    tok = jnp.take(emb_table, x, axis=0)  # [B, L, H]
    # positional embedding over the sequence length of x
    maxlen = x.shape[-1]
    positions = jnp.arange(0, maxlen)
    pos = jnp.take(pos_table, positions, axis=0)  # [L, H]
    return tok + pos[None, :, :]

if __name__ == "__main__":
    import jax
    _d = setup_inputs()
    print(jax.jit(kernel)(*tuple(_d.values())))

</pallas_src>

<mosaic_0001>
#map = affine_map<(d0, d1) -> (0, 0)>
#map1 = affine_map<(d0, d1) -> (0, 0, 0)>
module attributes {stable_mosaic.version = 14 : i64} {
  func.func @_emb_lookup(%arg0: i32, %arg1: i32, %arg2: memref<2048x100xi32, #tpu.memory_space<hbm>>, %arg3: memref<100000x128xf32, #tpu.memory_space<hbm>>, %arg4: memref<200x128xf32, #tpu.memory_space<hbm>>, %arg5: memref<1024x200x128xf32, #tpu.memory_space<hbm>>, %arg6: memref<64x100xi32, #tpu.memory_space<vmem>>, %arg7: memref<200x128xf32, #tpu.memory_space<vmem>>, %arg8: memref<100x128xf32, #tpu.memory_space<vmem>>, %arg9: memref<100x128xf32, #tpu.memory_space<vmem>>, %arg10: memref<200x128xf32, #tpu.memory_space<vmem>>, %arg11: memref<200x128xf32, #tpu.memory_space<vmem>>, %arg12: memref<!tpu.dma_semaphore, #tpu.memory_space<semaphore_mem>>, %arg13: memref<!tpu.dma_semaphore, #tpu.memory_space<semaphore_mem>>, %arg14: memref<!tpu.dma_semaphore, #tpu.memory_space<semaphore_mem>>, %arg15: memref<!tpu.dma_semaphore, #tpu.memory_space<semaphore_mem>>) attributes {dimension_semantics = [#tpu.dimension_semantics<core_parallel>, #tpu.dimension_semantics<subcore_parallel>], iteration_bounds = array<i64: 2, 16>, scalar_prefetch = 0 : i64, scratch_operands = 10 : i64, tpu.core_type = #tpu.core_type<sc_vector_subcore>, window_params = [{transform_indices = #map}, {transform_indices = #map}, {transform_indices = #map}, {transform_indices = #map1}]} {
    %mul3A = arith.constant 2 : i32
    %mul3A_0 = arith.muli %arg1, %mul3A : i32
    %add3A = arith.addi %mul3A_0, %arg0 : i32
    %mul3A_1 = arith.constant 32 : i32
    %mul3A_2 = arith.muli %add3A, %mul3A_1 : i32
    %mul3A_3 = arith.constant 64 : i32
    %mul3A_4 = arith.muli %add3A, %mul3A_3 : i32
    "tpu.region"() ({
      %run_scoped3A = tpu.sem_alloc : memref<!tpu.dma_semaphore, #tpu.memory_space<semaphore_mem>>
      %dma_start3A_40 = arith.constant 0 : i32
      %dma_start3A_41 = arith.constant 0 : i32
      %dma_start3A_42 = tpu.memref_slice %arg6[%dma_start3A_40, %dma_start3A_41] : memref<64x100xi32, #tpu.memory_space<vmem>> -> memref<8x100xi32, #tpu.memory_space<vmem>>
      %dma_start3A_43 = arith.constant 0 : i32
      %dma_start3A_44 = tpu.memref_slice %arg2[%mul3A_4, %dma_start3A_43] : memref<2048x100xi32, #tpu.memory_space<hbm>> -> memref<8x100xi32, #tpu.memory_space<hbm>>
      %dma_start3A_45 = arith.constant 0 : i32
      %dma_start3A_46 = arith.constant 0 : i32
      %dma_start3A_47 = tpu.memref_slice %arg6[%dma_start3A_45, %dma_start3A_46] : memref<64x100xi32, #tpu.memory_space<vmem>> -> memref<8x100xi32, #tpu.memory_space<vmem>>
      %dma_start3A_48 = arith.constant 0 : i32
      %dma_start3A_49 = tpu.memref_slice %arg2[%mul3A_4, %dma_start3A_48] : memref<2048x100xi32, #tpu.memory_space<hbm>> -> memref<8x100xi32, #tpu.memory_space<hbm>>
      tpu.enqueue_dma source(%dma_start3A_49 : memref<8x100xi32, #tpu.memory_space<hbm>>) target(%dma_start3A_47 : memref<8x100xi32, #tpu.memory_space<vmem>>) target_semaphore(%run_scoped3A : memref<!tpu.dma_semaphore, #tpu.memory_space<semaphore_mem>>)
      %dma_wait3A_50 = arith.constant 0 : i32
      %dma_wait3A_51 = arith.constant 0 : i32
      %dma_wait3A_52 = tpu.memref_slice %arg6[%dma_wait3A_50, %dma_wait3A_51] : memref<64x100xi32, #tpu.memory_space<vmem>> -> memref<8x100xi32, #tpu.memory_space<vmem>>
      %dma_wait3A_53 = arith.constant 0 : i32
      %dma_wait3A_54 = tpu.memref_slice %arg2[%mul3A_4, %dma_wait3A_53] : memref<2048x100xi32, #tpu.memory_space<hbm>> -> memref<8x100xi32, #tpu.memory_space<hbm>>
      %dma_wait3A_55 = arith.constant 0 : i32
      %dma_wait3A_56 = arith.constant 0 : i32
      %dma_wait3A_57 = tpu.memref_slice %arg6[%dma_wait3A_55, %dma_wait3A_56] : memref<64x100xi32, #tpu.memory_space<vmem>> -> memref<8x100xi32, #tpu.memory_space<vmem>>
      %dma_wait3A_58 = arith.constant 0 : i32
      %dma_wait3A_59 = tpu.memref_slice %arg2[%mul3A_4, %dma_wait3A_58] : memref<2048x100xi32, #tpu.memory_space<hbm>> -> memref<8x100xi32, #tpu.memory_space<hbm>>
      tpu.wait_dma2 semaphore(%run_scoped3A : memref<!tpu.dma_semaphore, #tpu.memory_space<semaphore_mem>>) src(%dma_wait3A_59 : memref<8x100xi32, #tpu.memory_space<hbm>>) dst(%dma_wait3A_57 : memref<8x100xi32, #tpu.memory_space<vmem>>)
      tpu.yield
    }) : () -> ()
    %dma_start3A = arith.constant 0 : i32
    %dma_start3A_5 = arith.constant 0 : i32
    %dma_start3A_6 = tpu.memref_slice %arg6[%dma_start3A, %dma_start3A_5] : memref<64x100xi32, #tpu.memory_space<vmem>> -> memref<1x100xi32, #tpu.memory_space<vmem>>
    %dma_start3A_7 = tpu.memref_squeeze %dma_start3A_6 : memref<1x100xi32, #tpu.memory_space<vmem>> -> memref<100xi32, #tpu.memory_space<vmem>>
    %dma_start3A_8 = arith.constant 0 : i32
    %dma_start3A_9 = arith.constant 0 : i32
    %dma_start3A_10 = tpu.memref_slice %arg3[%dma_start3A_8, %dma_start3A_9] : memref<100000x128xf32, #tpu.memory_space<hbm>> -> memref<100000x128xf32, #tpu.memory_space<hbm>>
    tpu.enqueue_indirect_dma source(%dma_start3A_10 : memref<100000x128xf32, #tpu.memory_space<hbm>>) target(%arg8 : memref<100x128xf32, #tpu.memory_space<vmem>>) offsets(%dma_start3A_7 : memref<100xi32, #tpu.memory_space<vmem>>) semaphore(%arg12 : memref<!tpu.dma_semaphore, #tpu.memory_space<semaphore_mem>>)
    %dma_start3A_11 = arith.constant 1 : i32
    %dma_start3A_12 = arith.constant 0 : i32
    %dma_start3A_13 = tpu.memref_slice %arg6[%dma_start3A_11, %dma_start3A_12] : memref<64x100xi32, #tpu.memory_space<vmem>> -> memref<1x100xi32, #tpu.memory_space<vmem>>
    %dma_start3A_14 = tpu.memref_squeeze %dma_start3A_13 : memref<1x100xi32, #tpu.memory_space<vmem>> -> memref<100xi32, #tpu.memory_space<vmem>>
    %dma_start3A_15 = arith.constant 0 : i32
    %dma_start3A_16 = arith.constant 0 : i32
    %dma_start3A_17 = tpu.memref_slice %arg3[%dma_start3A_15, %dma_start3A_16] : memref<100000x128xf32, #tpu.memory_space<hbm>> -> memref<100000x128xf32, #tpu.memory_space<hbm>>
    tpu.enqueue_indirect_dma source(%dma_start3A_17 : memref<100000x128xf32, #tpu.memory_space<hbm>>) target(%arg9 : memref<100x128xf32, #tpu.memory_space<vmem>>) offsets(%dma_start3A_14 : memref<100xi32, #tpu.memory_space<vmem>>) semaphore(%arg13 : memref<!tpu.dma_semaphore, #tpu.memory_space<semaphore_mem>>)
    %add3A_18 = arith.constant 8 : i32
    %add3A_19 = arith.addi %mul3A_4, %add3A_18 : i32
    "tpu.region"() ({
      %run_scoped3A = tpu.sem_alloc : memref<!tpu.dma_semaphore, #tpu.memory_space<semaphore_mem>>
      %dma_start3A_40 = arith.constant 8 : i32
      %dma_start3A_41 = arith.constant 0 : i32
      %dma_start3A_42 = tpu.memref_slice %arg6[%dma_start3A_40, %dma_start3A_41] : memref<64x100xi32, #tpu.memory_space<vmem>> -> memref<56x100xi32, #tpu.memory_space<vmem>>
      %dma_start3A_43 = arith.constant 0 : i32
      %dma_start3A_44 = tpu.memref_slice %arg2[%add3A_19, %dma_start3A_43] : memref<2048x100xi32, #tpu.memory_space<hbm>> -> memref<56x100xi32, #tpu.memory_space<hbm>>
      %dma_start3A_45 = arith.constant 8 : i32
      %dma_start3A_46 = arith.constant 0 : i32
      %dma_start3A_47 = tpu.memref_slice %arg6[%dma_start3A_45, %dma_start3A_46] : memref<64x100xi32, #tpu.memory_space<vmem>> -> memref<56x100xi32, #tpu.memory_space<vmem>>
      %dma_start3A_48 = arith.constant 0 : i32
      %dma_start3A_49 = tpu.memref_slice %arg2[%add3A_19, %dma_start3A_48] : memref<2048x100xi32, #tpu.memory_space<hbm>> -> memref<56x100xi32, #tpu.memory_space<hbm>>
      tpu.enqueue_dma source(%dma_start3A_49 : memref<56x100xi32, #tpu.memory_space<hbm>>) target(%dma_start3A_47 : memref<56x100xi32, #tpu.memory_space<vmem>>) target_semaphore(%run_scoped3A : memref<!tpu.dma_semaphore, #tpu.memory_space<semaphore_mem>>)
      %dma_wait3A_50 = arith.constant 8 : i32
      %dma_wait3A_51 = arith.constant 0 : i32
      %dma_wait3A_52 = tpu.memref_slice %arg6[%dma_wait3A_50, %dma_wait3A_51] : memref<64x100xi32, #tpu.memory_space<vmem>> -> memref<56x100xi32, #tpu.memory_space<vmem>>
      %dma_wait3A_53 = arith.constant 0 : i32
      %dma_wait3A_54 = tpu.memref_slice %arg2[%add3A_19, %dma_wait3A_53] : memref<2048x100xi32, #tpu.memory_space<hbm>> -> memref<56x100xi32, #tpu.memory_space<hbm>>
      %dma_wait3A_55 = arith.constant 8 : i32
      %dma_wait3A_56 = arith.constant 0 : i32
      %dma_wait3A_57 = tpu.memref_slice %arg6[%dma_wait3A_55, %dma_wait3A_56] : memref<64x100xi32, #tpu.memory_space<vmem>> -> memref<56x100xi32, #tpu.memory_space<vmem>>
      %dma_wait3A_58 = arith.constant 0 : i32
      %dma_wait3A_59 = tpu.memref_slice %arg2[%add3A_19, %dma_wait3A_58] : memref<2048x100xi32, #tpu.memory_space<hbm>> -> memref<56x100xi32, #tpu.memory_space<hbm>>
      tpu.wait_dma2 semaphore(%run_scoped3A : memref<!tpu.dma_semaphore, #tpu.memory_space<semaphore_mem>>) src(%dma_wait3A_59 : memref<56x100xi32, #tpu.memory_space<hbm>>) dst(%dma_wait3A_57 : memref<56x100xi32, #tpu.memory_space<vmem>>)
      tpu.yield
    }) : () -> ()
    "tpu.region"() ({
      %run_scoped3A = tpu.sem_alloc : memref<!tpu.dma_semaphore, #tpu.memory_space<semaphore_mem>>
      tpu.enqueue_dma source(%arg4 : memref<200x128xf32, #tpu.memory_space<hbm>>) target(%arg7 : memref<200x128xf32, #tpu.memory_space<vmem>>) target_semaphore(%run_scoped3A : memref<!tpu.dma_semaphore, #tpu.memory_space<semaphore_mem>>)
      tpu.wait_dma2 semaphore(%run_scoped3A : memref<!tpu.dma_semaphore, #tpu.memory_space<semaphore_mem>>) src(%arg4 : memref<200x128xf32, #tpu.memory_space<hbm>>) dst(%arg7 : memref<200x128xf32, #tpu.memory_space<vmem>>)
      tpu.yield
    }) : () -> ()
    %scan3A = arith.constant 0 : i32
    %scan3A_20 = arith.constant 0 : i32
    %scan3A_21 = arith.constant 16 : i32
    %scan3A_22 = arith.addi %scan3A_20, %scan3A_21 : i32
    %scan3A_23 = arith.constant 1 : i32
    scf.for %scan3A_40 = %scan3A_20 to %scan3A_22 step %scan3A_23  : i32 {
      %mul3A_41 = arith.constant 2 : i32
      %mul3A_42 = arith.muli %mul3A_41, %scan3A_40 : i32
      %dma_wait3A_43 = arith.constant 0 : i32
      %dma_wait3A_44 = arith.constant 0 : i32
      %dma_wait3A_45 = tpu.memref_slice %arg6[%dma_wait3A_43, %dma_wait3A_44] : memref<64x100xi32, #tpu.memory_space<vmem>> -> memref<1x100xi32, #tpu.memory_space<vmem>>
      %dma_wait3A_46 = tpu.memref_squeeze %dma_wait3A_45 : memref<1x100xi32, #tpu.memory_space<vmem>> -> memref<100xi32, #tpu.memory_space<vmem>>
      %dma_wait3A_47 = arith.constant 0 : i32
      %dma_wait3A_48 = arith.constant 0 : i32
      %dma_wait3A_49 = tpu.memref_slice %arg3[%dma_wait3A_47, %dma_wait3A_48] : memref<100000x128xf32, #tpu.memory_space<hbm>> -> memref<100000x128xf32, #tpu.memory_space<hbm>>
      tpu.wait_indirect_dma semaphore(%arg12 : memref<!tpu.dma_semaphore, #tpu.memory_space<semaphore_mem>>) src(%dma_wait3A_49 : memref<100000x128xf32, #tpu.memory_space<hbm>>) dst(%arg8 : memref<100x128xf32, #tpu.memory_space<vmem>>)
      %gt3A = arith.constant 0 : i32
      %gt3A_50 = arith.cmpi sgt, %scan3A_40, %gt3A : i32
      %convert_element_type3A = arith.extui %gt3A_50 : i1 to i32
      %cond3A = arith.constant 0 : i32
      %cond3A_51 = arith.cmpi ne, %convert_element_type3A, %cond3A : i32
      scf.if %cond3A_51 {
        %dma_wait3A_149 = arith.constant 0 : i32
        %dma_wait3A_150 = arith.constant 0 : i32
        %dma_wait3A_151 = tpu.memref_slice %arg5[%mul3A_2, %dma_wait3A_149, %dma_wait3A_150] : memref<1024x200x128xf32, #tpu.memory_space<hbm>> -> memref<1x200x128xf32, #tpu.memory_space<hbm>>
        %dma_wait3A_152 = tpu.memref_squeeze %dma_wait3A_151 : memref<1x200x128xf32, #tpu.memory_space<hbm>> -> memref<200x128xf32, #tpu.memory_space<hbm>>
        %dma_wait3A_153 = arith.constant 0 : i32
        %dma_wait3A_154 = arith.constant 0 : i32
        %dma_wait3A_155 = tpu.memref_slice %arg5[%mul3A_2, %dma_wait3A_153, %dma_wait3A_154] : memref<1024x200x128xf32, #tpu.memory_space<hbm>> -> memref<1x200x128xf32, #tpu.memory_space<hbm>>
        %dma_wait3A_156 = tpu.memref_squeeze %dma_wait3A_155 : memref<1x200x128xf32, #tpu.memory_space<hbm>> -> memref<200x128xf32, #tpu.memory_space<hbm>>
        tpu.wait_dma2 semaphore(%arg14 : memref<!tpu.dma_semaphore, #tpu.memory_space<semaphore_mem>>) src(%arg10 : memref<200x128xf32, #tpu.memory_space<vmem>>) dst(%dma_wait3A_156 : memref<200x128xf32, #tpu.memory_space<hbm>>)
      } else {
      }
      %scan3A_52 = arith.constant 0 : i32
      %scan3A_53 = arith.constant 0 : i32
      %scan3A_54 = arith.constant 100 : i32
      %scan3A_55 = arith.addi %scan3A_53, %scan3A_54 : i32
      %scan3A_56 = arith.constant 1 : i32
      scf.for %scan3A_149 = %scan3A_53 to %scan3A_55 step %scan3A_56  : i32 {
        %get3A = arith.index_cast %scan3A_149 : i32 to index
        %get3A_150 = arith.constant 0 : index
        %get3A_151 = tpu.vector_load %arg8[%get3A, %get3A_150] {strides = array<i32>} : memref<100x128xf32, #tpu.memory_space<vmem>>, vector<1x16xf32>,
        %get3A_152 = vector.shape_cast %get3A_151 : vector<1x16xf32> to vector<16xf32>
        %add3A_153 = arith.constant 0 : i32
        %add3A_154 = arith.addi %add3A_153, %scan3A_149 : i32
        %get3A_155 = arith.index_cast %add3A_154 : i32 to index
        %get3A_156 = arith.constant 0 : index
        %get3A_157 = tpu.vector_load %arg7[%get3A_155, %get3A_156] {strides = array<i32>} : memref<200x128xf32, #tpu.memory_space<vmem>>, vector<1x16xf32>,
        %get3A_158 = vector.shape_cast %get3A_157 : vector<1x16xf32> to vector<16xf32>
        %add3A_159 = arith.addf %get3A_152, %get3A_158 : vector<16xf32>
        %add3A_160 = arith.constant 0 : i32
        %add3A_161 = arith.addi %add3A_160, %scan3A_149 : i32
        %swap3A = arith.index_cast %add3A_161 : i32 to index
        %swap3A_162 = arith.constant 0 : index
        %swap3A_163 = tpu.vector_load %arg10[%swap3A, %swap3A_162] {strides = array<i32>} : memref<200x128xf32, #tpu.memory_space<vmem>>, vector<1x16xf32>,
        %swap3A_164 = vector.shape_cast %swap3A_163 : vector<1x16xf32> to vector<16xf32>
        %swap3A_165 = vector.shape_cast %add3A_159 : vector<16xf32> to vector<1x16xf32>
        tpu.vector_store %arg10[%swap3A, %swap3A_162], %swap3A_165 {strides = array<i32>} : memref<200x128xf32, #tpu.memory_space<vmem>>, vector<1x16xf32>,
        %get3A_166 = arith.index_cast %scan3A_149 : i32 to index
        %get3A_167 = arith.constant 16 : index
        %get3A_168 = tpu.vector_load %arg8[%get3A_166, %get3A_167] {strides = array<i32>} : memref<100x128xf32, #tpu.memory_space<vmem>>, vector<1x16xf32>,
        %get3A_169 = vector.shape_cast %get3A_168 : vector<1x16xf32> to vector<16xf32>
        %add3A_170 = arith.constant 0 : i32
        %add3A_171 = arith.addi %add3A_170, %scan3A_149 : i32
        %get3A_172 = arith.index_cast %add3A_171 : i32 to index
        %get3A_173 = arith.constant 16 : index
        %get3A_174 = tpu.vector_load %arg7[%get3A_172, %get3A_173] {strides = array<i32>} : memref<200x128xf32, #tpu.memory_space<vmem>>, vector<1x16xf32>,
        %get3A_175 = vector.shape_cast %get3A_174 : vector<1x16xf32> to vector<16xf32>
        %add3A_176 = arith.addf %get3A_169, %get3A_175 : vector<16xf32>
        %add3A_177 = arith.constant 0 : i32
        %add3A_178 = arith.addi %add3A_177, %scan3A_149 : i32
        %swap3A_179 = arith.index_cast %add3A_178 : i32 to index
        %swap3A_180 = arith.constant 16 : index
        %swap3A_181 = tpu.vector_load %arg10[%swap3A_179, %swap3A_180] {strides = array<i32>} : memref<200x128xf32, #tpu.memory_space<vmem>>, vector<1x16xf32>,
        %swap3A_182 = vector.shape_cast %swap3A_181 : vector<1x16xf32> to vector<16xf32>
        %swap3A_183 = vector.shape_cast %add3A_176 : vector<16xf32> to vector<1x16xf32>
        tpu.vector_store %arg10[%swap3A_179, %swap3A_180], %swap3A_183 {strides = array<i32>} : memref<200x128xf32, #tpu.memory_space<vmem>>, vector<1x16xf32>,
        %get3A_184 = arith.index_cast %scan3A_149 : i32 to index
        %get3A_185 = arith.constant 32 : index
        %get3A_186 = tpu.vector_load %arg8[%get3A_184, %get3A_185] {strides = array<i32>} : memref<100x128xf32, #tpu.memory_space<vmem>>, vector<1x16xf32>,
        %get3A_187 = vector.shape_cast %get3A_186 : vector<1x16xf32> to vector<16xf32>
        %add3A_188 = arith.constant 0 : i32
        %add3A_189 = arith.addi %add3A_188, %scan3A_149 : i32
        %get3A_190 = arith.index_cast %add3A_189 : i32 to index
        %get3A_191 = arith.constant 32 : index
        %get3A_192 = tpu.vector_load %arg7[%get3A_190, %get3A_191] {strides = array<i32>} : memref<200x128xf32, #tpu.memory_space<vmem>>, vector<1x16xf32>,
        %get3A_193 = vector.shape_cast %get3A_192 : vector<1x16xf32> to vector<16xf32>
        %add3A_194 = arith.addf %get3A_187, %get3A_193 : vector<16xf32>
        %add3A_195 = arith.constant 0 : i32
        %add3A_196 = arith.addi %add3A_195, %scan3A_149 : i32
        %swap3A_197 = arith.index_cast %add3A_196 : i32 to index
        %swap3A_198 = arith.constant 32 : index
        %swap3A_199 = tpu.vector_load %arg10[%swap3A_197, %swap3A_198] {strides = array<i32>} : memref<200x128xf32, #tpu.memory_space<vmem>>, vector<1x16xf32>,
        %swap3A_200 = vector.shape_cast %swap3A_199 : vector<1x16xf32> to vector<16xf32>
        %swap3A_201 = vector.shape_cast %add3A_194 : vector<16xf32> to vector<1x16xf32>
        tpu.vector_store %arg10[%swap3A_197, %swap3A_198], %swap3A_201 {strides = array<i32>} : memref<200x128xf32, #tpu.memory_space<vmem>>, vector<1x16xf32>,
        %get3A_202 = arith.index_cast %scan3A_149 : i32 to index
        %get3A_203 = arith.constant 48 : index
        %get3A_204 = tpu.vector_load %arg8[%get3A_202, %get3A_203] {strides = array<i32>} : memref<100x128xf32, #tpu.memory_space<vmem>>, vector<1x16xf32>,
        %get3A_205 = vector.shape_cast %get3A_204 : vector<1x16xf32> to vector<16xf32>
        %add3A_206 = arith.constant 0 : i32
        %add3A_207 = arith.addi %add3A_206, %scan3A_149 : i32
        %get3A_208 = arith.index_cast %add3A_207 : i32 to index
        %get3A_209 = arith.constant 48 : index
        %get3A_210 = tpu.vector_load %arg7[%get3A_208, %get3A_209] {strides = array<i32>} : memref<200x128xf32, #tpu.memory_space<vmem>>, vector<1x16xf32>,
        %get3A_211 = vector.shape_cast %get3A_210 : vector<1x16xf32> to vector<16xf32>
        %add3A_212 = arith.addf %get3A_205, %get3A_211 : vector<16xf32>
        %add3A_213 = arith.constant 0 : i32
        %add3A_214 = arith.addi %add3A_213, %scan3A_149 : i32
        %swap3A_215 = arith.index_cast %add3A_214 : i32 to index
        %swap3A_216 = arith.constant 48 : index
        %swap3A_217 = tpu.vector_load %arg10[%swap3A_215, %swap3A_216] {strides = array<i32>} : memref<200x128xf32, #tpu.memory_space<vmem>>, vector<1x16xf32>,
        %swap3A_218 = vector.shape_cast %swap3A_217 : vector<1x16xf32> to vector<16xf32>
        %swap3A_219 = vector.shape_cast %add3A_212 : vector<16xf32> to vector<1x16xf32>
        tpu.vector_store %arg10[%swap3A_215, %swap3A_216], %swap3A_219 {strides = array<i32>} : memref<200x128xf32, #tpu.memory_space<vmem>>, vector<1x16xf32>,
        %get3A_220 = arith.index_cast %scan3A_149 : i32 to index
        %get3A_221 = arith.constant 64 : index
        %get3A_222 = tpu.vector_load %arg8[%get3A_220, %get3A_221] {strides = array<i32>} : memref<100x128xf32, #tpu.memory_space<vmem>>, vector<1x16xf32>,
        %get3A_223 = vector.shape_cast %get3A_222 : vector<1x16xf32> to vector<16xf32>
        %add3A_224 = arith.constant 0 : i32
        %add3A_225 = arith.addi %add3A_224, %scan3A_149 : i32
        %get3A_226 = arith.index_cast %add3A_225 : i32 to index
        %get3A_227 = arith.constant 64 : index
        %get3A_228 = tpu.vector_load %arg7[%get3A_226, %get3A_227] {strides = array<i32>} : memref<200x128xf32, #tpu.memory_space<vmem>>, vector<1x16xf32>,
        %get3A_229 = vector.shape_cast %get3A_228 : vector<1x16xf32> to vector<16xf32>
        %add3A_230 = arith.addf %get3A_223, %get3A_229 : vector<16xf32>
        %add3A_231 = arith.constant 0 : i32
        %add3A_232 = arith.addi %add3A_231, %scan3A_149 : i32
        %swap3A_233 = arith.index_cast %add3A_232 : i32 to index
        %swap3A_234 = arith.constant 64 : index
        %swap3A_235 = tpu.vector_load %arg10[%swap3A_233, %swap3A_234] {strides = array<i32>} : memref<200x128xf32, #tpu.memory_space<vmem>>, vector<1x16xf32>,
        %swap3A_236 = vector.shape_cast %swap3A_235 : vector<1x16xf32> to vector<16xf32>
        %swap3A_237 = vector.shape_cast %add3A_230 : vector<16xf32> to vector<1x16xf32>
        tpu.vector_store %arg10[%swap3A_233, %swap3A_234], %swap3A_237 {strides = array<i32>} : memref<200x128xf32, #tpu.memory_space<vmem>>, vector<1x16xf32>,
        %get3A_238 = arith.index_cast %scan3A_149 : i32 to index
        %get3A_239 = arith.constant 80 : index
        %get3A_240 = tpu.vector_load %arg8[%get3A_238, %get3A_239] {strides = array<i32>} : memref<100x128xf32, #tpu.memory_space<vmem>>, vector<1x16xf32>,
        %get3A_241 = vector.shape_cast %get3A_240 : vector<1x16xf32> to vector<16xf32>
        %add3A_242 = arith.constant 0 : i32
        %add3A_243 = arith.addi %add3A_242, %scan3A_149 : i32
        %get3A_244 = arith.index_cast %add3A_243 : i32 to index
        %get3A_245 = arith.constant 80 : index
        %get3A_246 = tpu.vector_load %arg7[%get3A_244, %get3A_245] {strides = array<i32>} : memref<200x128xf32, #tpu.memory_space<vmem>>, vector<1x16xf32>,
        %get3A_247 = vector.shape_cast %get3A_246 : vector<1x16xf32> to vector<16xf32>
        %add3A_248 = arith.addf %get3A_241, %get3A_247 : vector<16xf32>
        %add3A_249 = arith.constant 0 : i32
        %add3A_250 = arith.addi %add3A_249, %scan3A_149 : i32
        %swap3A_251 = arith.index_cast %add3A_250 : i32 to index
        %swap3A_252 = arith.constant 80 : index
        %swap3A_253 = tpu.vector_load %arg10[%swap3A_251, %swap3A_252] {strides = array<i32>} : memref<200x128xf32, #tpu.memory_space<vmem>>, vector<1x16xf32>,
        %swap3A_254 = vector.shape_cast %swap3A_253 : vector<1x16xf32> to vector<16xf32>
        %swap3A_255 = vector.shape_cast %add3A_248 : vector<16xf32> to vector<1x16xf32>
        tpu.vector_store %arg10[%swap3A_251, %swap3A_252], %swap3A_255 {strides = array<i32>} : memref<200x128xf32, #tpu.memory_space<vmem>>, vector<1x16xf32>,
        %get3A_256 = arith.index_cast %scan3A_149 : i32 to index
        %get3A_257 = arith.constant 96 : index
        %get3A_258 = tpu.vector_load %arg8[%get3A_256, %get3A_257] {strides = array<i32>} : memref<100x128xf32, #tpu.memory_space<vmem>>, vector<1x16xf32>,
        %get3A_259 = vector.shape_cast %get3A_258 : vector<1x16xf32> to vector<16xf32>
        %add3A_260 = arith.constant 0 : i32
        %add3A_261 = arith.addi %add3A_260, %scan3A_149 : i32
        %get3A_262 = arith.index_cast %add3A_261 : i32 to index
        %get3A_263 = arith.constant 96 : index
        %get3A_264 = tpu.vector_load %arg7[%get3A_262, %get3A_263] {strides = array<i32>} : memref<200x128xf32, #tpu.memory_space<vmem>>, vector<1x16xf32>,
        %get3A_265 = vector.shape_cast %get3A_264 : vector<1x16xf32> to vector<16xf32>
        %add3A_266 = arith.addf %get3A_259, %get3A_265 : vector<16xf32>
        %add3A_267 = arith.constant 0 : i32
        %add3A_268 = arith.addi %add3A_267, %scan3A_149 : i32
        %swap3A_269 = arith.index_cast %add3A_268 : i32 to index
        %swap3A_270 = arith.constant 96 : index
        %swap3A_271 = tpu.vector_load %arg10[%swap3A_269, %swap3A_270] {strides = array<i32>} : memref<200x128xf32, #tpu.memory_space<vmem>>, vector<1x16xf32>,
        %swap3A_272 = vector.shape_cast %swap3A_271 : vector<1x16xf32> to vector<16xf32>
        %swap3A_273 = vector.shape_cast %add3A_266 : vector<16xf32> to vector<1x16xf32>
        tpu.vector_store %arg10[%swap3A_269, %swap3A_270], %swap3A_273 {strides = array<i32>} : memref<200x128xf32, #tpu.memory_space<vmem>>, vector<1x16xf32>,
        %get3A_274 = arith.index_cast %scan3A_149 : i32 to index
        %get3A_275 = arith.constant 112 : index
        %get3A_276 = tpu.vector_load %arg8[%get3A_274, %get3A_275] {strides = array<i32>} : memref<100x128xf32, #tpu.memory_space<vmem>>, vector<1x16xf32>,
        %get3A_277 = vector.shape_cast %get3A_276 : vector<1x16xf32> to vector<16xf32>
        %add3A_278 = arith.constant 0 : i32
        %add3A_279 = arith.addi %add3A_278, %scan3A_149 : i32
        %get3A_280 = arith.index_cast %add3A_279 : i32 to index
        %get3A_281 = arith.constant 112 : index
        %get3A_282 = tpu.vector_load %arg7[%get3A_280, %get3A_281] {strides = array<i32>} : memref<200x128xf32, #tpu.memory_space<vmem>>, vector<1x16xf32>,
        %get3A_283 = vector.shape_cast %get3A_282 : vector<1x16xf32> to vector<16xf32>
        %add3A_284 = arith.addf %get3A_277, %get3A_283 : vector<16xf32>
        %add3A_285 = arith.constant 0 : i32
        %add3A_286 = arith.addi %add3A_285, %scan3A_149 : i32
        %swap3A_287 = arith.index_cast %add3A_286 : i32 to index
        %swap3A_288 = arith.constant 112 : index
        %swap3A_289 = tpu.vector_load %arg10[%swap3A_287, %swap3A_288] {strides = array<i32>} : memref<200x128xf32, #tpu.memory_space<vmem>>, vector<1x16xf32>,
        %swap3A_290 = vector.shape_cast %swap3A_289 : vector<1x16xf32> to vector<16xf32>
        %swap3A_291 = vector.shape_cast %add3A_284 : vector<16xf32> to vector<1x16xf32>
        tpu.vector_store %arg10[%swap3A_287, %swap3A_288], %swap3A_291 {strides = array<i32>} : memref<200x128xf32, #tpu.memory_space<vmem>>, vector<1x16xf32>,
      }
      %scan3A_57 = arith.constant 100 : i32
      %mul3A_58 = arith.constant 2 : i32
      %mul3A_59 = arith.muli %mul3A_58, %mul3A_42 : i32
      %add3A_60 = arith.constant 2 : i32
      %add3A_61 = arith.addi %mul3A_59, %add3A_60 : i32
      %dma_start3A_62 = arith.constant 0 : i32
      %dma_start3A_63 = tpu.memref_slice %arg6[%add3A_61, %dma_start3A_62] : memref<64x100xi32, #tpu.memory_space<vmem>> -> memref<1x100xi32, #tpu.memory_space<vmem>>
      %dma_start3A_64 = tpu.memref_squeeze %dma_start3A_63 : memref<1x100xi32, #tpu.memory_space<vmem>> -> memref<100xi32, #tpu.memory_space<vmem>>
      %dma_start3A_65 = arith.constant 0 : i32
      %dma_start3A_66 = arith.constant 0 : i32
      %dma_start3A_67 = tpu.memref_slice %arg3[%dma_start3A_65, %dma_start3A_66] : memref<100000x128xf32, #tpu.memory_space<hbm>> -> memref<100000x128xf32, #tpu.memory_space<hbm>>
      tpu.enqueue_indirect_dma source(%dma_start3A_67 : memref<100000x128xf32, #tpu.memory_space<hbm>>) target(%arg8 : memref<100x128xf32, #tpu.memory_space<vmem>>) offsets(%dma_start3A_64 : memref<100xi32, #tpu.memory_space<vmem>>) semaphore(%arg12 : memref<!tpu.dma_semaphore, #tpu.memory_space<semaphore_mem>>)
      %dma_wait3A_68 = arith.constant 0 : i32
      %dma_wait3A_69 = arith.constant 0 : i32
      %dma_wait3A_70 = tpu.memref_slice %arg6[%dma_wait3A_68, %dma_wait3A_69] : memref<64x100xi32, #tpu.memory_space<vmem>> -> memref<1x100xi32, #tpu.memory_space<vmem>>
      %dma_wait3A_71 = tpu.memref_squeeze %dma_wait3A_70 : memref<1x100xi32, #tpu.memory_space<vmem>> -> memref<100xi32, #tpu.memory_space<vmem>>
      %dma_wait3A_72 = arith.constant 0 : i32
      %dma_wait3A_73 = arith.constant 0 : i32
      %dma_wait3A_74 = tpu.memref_slice %arg3[%dma_wait3A_72, %dma_wait3A_73] : memref<100000x128xf32, #tpu.memory_space<hbm>> -> memref<100000x128xf32, #tpu.memory_space<hbm>>
      tpu.wait_indirect_dma semaphore(%arg13 : memref<!tpu.dma_semaphore, #tpu.memory_space<semaphore_mem>>) src(%dma_wait3A_74 : memref<100000x128xf32, #tpu.memory_space<hbm>>) dst(%arg9 : memref<100x128xf32, #tpu.memory_space<vmem>>)
      %scan3A_75 = arith.constant 0 : i32
      %scan3A_76 = arith.constant 0 : i32
      %scan3A_77 = arith.constant 100 : i32
      %scan3A_78 = arith.addi %scan3A_76, %scan3A_77 : i32
      %scan3A_79 = arith.constant 1 : i32
      scf.for %scan3A_149 = %scan3A_76 to %scan3A_78 step %scan3A_79  : i32 {
        %get3A = arith.index_cast %scan3A_149 : i32 to index
        %get3A_150 = arith.constant 0 : index
        %get3A_151 = tpu.vector_load %arg9[%get3A, %get3A_150] {strides = array<i32>} : memref<100x128xf32, #tpu.memory_space<vmem>>, vector<1x16xf32>,
        %get3A_152 = vector.shape_cast %get3A_151 : vector<1x16xf32> to vector<16xf32>
        %add3A_153 = arith.constant 100 : i32
        %add3A_154 = arith.addi %add3A_153, %scan3A_149 : i32
        %get3A_155 = arith.index_cast %add3A_154 : i32 to index
        %get3A_156 = arith.constant 0 : index
        %get3A_157 = tpu.vector_load %arg7[%get3A_155, %get3A_156] {strides = array<i32>} : memref<200x128xf32, #tpu.memory_space<vmem>>, vector<1x16xf32>,
        %get3A_158 = vector.shape_cast %get3A_157 : vector<1x16xf32> to vector<16xf32>
        %add3A_159 = arith.addf %get3A_152, %get3A_158 : vector<16xf32>
        %add3A_160 = arith.constant 100 : i32
        %add3A_161 = arith.addi %add3A_160, %scan3A_149 : i32
        %swap3A = arith.index_cast %add3A_161 : i32 to index
        %swap3A_162 = arith.constant 0 : index
        %swap3A_163 = tpu.vector_load %arg10[%swap3A, %swap3A_162] {strides = array<i32>} : memref<200x128xf32, #tpu.memory_space<vmem>>, vector<1x16xf32>,
        %swap3A_164 = vector.shape_cast %swap3A_163 : vector<1x16xf32> to vector<16xf32>
        %swap3A_165 = vector.shape_cast %add3A_159 : vector<16xf32> to vector<1x16xf32>
        tpu.vector_store %arg10[%swap3A, %swap3A_162], %swap3A_165 {strides = array<i32>} : memref<200x128xf32, #tpu.memory_space<vmem>>, vector<1x16xf32>,
        %get3A_166 = arith.index_cast %scan3A_149 : i32 to index
        %get3A_167 = arith.constant 16 : index
        %get3A_168 = tpu.vector_load %arg9[%get3A_166, %get3A_167] {strides = array<i32>} : memref<100x128xf32, #tpu.memory_space<vmem>>, vector<1x16xf32>,
        %get3A_169 = vector.shape_cast %get3A_168 : vector<1x16xf32> to vector<16xf32>
        %add3A_170 = arith.constant 100 : i32
        %add3A_171 = arith.addi %add3A_170, %scan3A_149 : i32
        %get3A_172 = arith.index_cast %add3A_171 : i32 to index
        %get3A_173 = arith.constant 16 : index
        %get3A_174 = tpu.vector_load %arg7[%get3A_172, %get3A_173] {strides = array<i32>} : memref<200x128xf32, #tpu.memory_space<vmem>>, vector<1x16xf32>,
        %get3A_175 = vector.shape_cast %get3A_174 : vector<1x16xf32> to vector<16xf32>
        %add3A_176 = arith.addf %get3A_169, %get3A_175 : vector<16xf32>
        %add3A_177 = arith.constant 100 : i32
        %add3A_178 = arith.addi %add3A_177, %scan3A_149 : i32
        %swap3A_179 = arith.index_cast %add3A_178 : i32 to index
        %swap3A_180 = arith.constant 16 : index
        %swap3A_181 = tpu.vector_load %arg10[%swap3A_179, %swap3A_180] {strides = array<i32>} : memref<200x128xf32, #tpu.memory_space<vmem>>, vector<1x16xf32>,
        %swap3A_182 = vector.shape_cast %swap3A_181 : vector<1x16xf32> to vector<16xf32>
        %swap3A_183 = vector.shape_cast %add3A_176 : vector<16xf32> to vector<1x16xf32>
        tpu.vector_store %arg10[%swap3A_179, %swap3A_180], %swap3A_183 {strides = array<i32>} : memref<200x128xf32, #tpu.memory_space<vmem>>, vector<1x16xf32>,
        %get3A_184 = arith.index_cast %scan3A_149 : i32 to index
        %get3A_185 = arith.constant 32 : index
        %get3A_186 = tpu.vector_load %arg9[%get3A_184, %get3A_185] {strides = array<i32>} : memref<100x128xf32, #tpu.memory_space<vmem>>, vector<1x16xf32>,
        %get3A_187 = vector.shape_cast %get3A_186 : vector<1x16xf32> to vector<16xf32>
        %add3A_188 = arith.constant 100 : i32
        %add3A_189 = arith.addi %add3A_188, %scan3A_149 : i32
        %get3A_190 = arith.index_cast %add3A_189 : i32 to index
        %get3A_191 = arith.constant 32 : index
        %get3A_192 = tpu.vector_load %arg7[%get3A_190, %get3A_191] {strides = array<i32>} : memref<200x128xf32, #tpu.memory_space<vmem>>, vector<1x16xf32>,
        %get3A_193 = vector.shape_cast %get3A_192 : vector<1x16xf32> to vector<16xf32>
        %add3A_194 = arith.addf %get3A_187, %get3A_193 : vector<16xf32>
        %add3A_195 = arith.constant 100 : i32
        %add3A_196 = arith.addi %add3A_195, %scan3A_149 : i32
        %swap3A_197 = arith.index_cast %add3A_196 : i32 to index
        %swap3A_198 = arith.constant 32 : index
        %swap3A_199 = tpu.vector_load %arg10[%swap3A_197, %swap3A_198] {strides = array<i32>} : memref<200x128xf32, #tpu.memory_space<vmem>>, vector<1x16xf32>,
        %swap3A_200 = vector.shape_cast %swap3A_199 : vector<1x16xf32> to vector<16xf32>
        %swap3A_201 = vector.shape_cast %add3A_194 : vector<16xf32> to vector<1x16xf32>
        tpu.vector_store %arg10[%swap3A_197, %swap3A_198], %swap3A_201 {strides = array<i32>} : memref<200x128xf32, #tpu.memory_space<vmem>>, vector<1x16xf32>,
        %get3A_202 = arith.index_cast %scan3A_149 : i32 to index
        %get3A_203 = arith.constant 48 : index
        %get3A_204 = tpu.vector_load %arg9[%get3A_202, %get3A_203] {strides = array<i32>} : memref<100x128xf32, #tpu.memory_space<vmem>>, vector<1x16xf32>,
        %get3A_205 = vector.shape_cast %get3A_204 : vector<1x16xf32> to vector<16xf32>
        %add3A_206 = arith.constant 100 : i32
        %add3A_207 = arith.addi %add3A_206, %scan3A_149 : i32
        %get3A_208 = arith.index_cast %add3A_207 : i32 to index
        %get3A_209 = arith.constant 48 : index
        %get3A_210 = tpu.vector_load %arg7[%get3A_208, %get3A_209] {strides = array<i32>} : memref<200x128xf32, #tpu.memory_space<vmem>>, vector<1x16xf32>,
        %get3A_211 = vector.shape_cast %get3A_210 : vector<1x16xf32> to vector<16xf32>
        %add3A_212 = arith.addf %get3A_205, %get3A_211 : vector<16xf32>
        %add3A_213 = arith.constant 100 : i32
        %add3A_214 = arith.addi %add3A_213, %scan3A_149 : i32
        %swap3A_215 = arith.index_cast %add3A_214 : i32 to index
        %swap3A_216 = arith.constant 48 : index
        %swap3A_217 = tpu.vector_load %arg10[%swap3A_215, %swap3A_216] {strides = array<i32>} : memref<200x128xf32, #tpu.memory_space<vmem>>, vector<1x16xf32>,
        %swap3A_218 = vector.shape_cast %swap3A_217 : vector<1x16xf32> to vector<16xf32>
        %swap3A_219 = vector.shape_cast %add3A_212 : vector<16xf32> to vector<1x16xf32>
        tpu.vector_store %arg10[%swap3A_215, %swap3A_216], %swap3A_219 {strides = array<i32>} : memref<200x128xf32, #tpu.memory_space<vmem>>, vector<1x16xf32>,
        %get3A_220 = arith.index_cast %scan3A_149 : i32 to index
        %get3A_221 = arith.constant 64 : index
        %get3A_222 = tpu.vector_load %arg9[%get3A_220, %get3A_221] {strides = array<i32>} : memref<100x128xf32, #tpu.memory_space<vmem>>, vector<1x16xf32>,
        %get3A_223 = vector.shape_cast %get3A_222 : vector<1x16xf32> to vector<16xf32>
        %add3A_224 = arith.constant 100 : i32
        %add3A_225 = arith.addi %add3A_224, %scan3A_149 : i32
        %get3A_226 = arith.index_cast %add3A_225 : i32 to index
        %get3A_227 = arith.constant 64 : index
        %get3A_228 = tpu.vector_load %arg7[%get3A_226, %get3A_227] {strides = array<i32>} : memref<200x128xf32, #tpu.memory_space<vmem>>, vector<1x16xf32>,
        %get3A_229 = vector.shape_cast %get3A_228 : vector<1x16xf32> to vector<16xf32>
        %add3A_230 = arith.addf %get3A_223, %get3A_229 : vector<16xf32>
        %add3A_231 = arith.constant 100 : i32
        %add3A_232 = arith.addi %add3A_231, %scan3A_149 : i32
        %swap3A_233 = arith.index_cast %add3A_232 : i32 to index
        %swap3A_234 = arith.constant 64 : index
        %swap3A_235 = tpu.vector_load %arg10[%swap3A_233, %swap3A_234] {strides = array<i32>} : memref<200x128xf32, #tpu.memory_space<vmem>>, vector<1x16xf32>,
        %swap3A_236 = vector.shape_cast %swap3A_235 : vector<1x16xf32> to vector<16xf32>
        %swap3A_237 = vector.shape_cast %add3A_230 : vector<16xf32> to vector<1x16xf32>
        tpu.vector_store %arg10[%swap3A_233, %swap3A_234], %swap3A_237 {strides = array<i32>} : memref<200x128xf32, #tpu.memory_space<vmem>>, vector<1x16xf32>,
        %get3A_238 = arith.index_cast %scan3A_149 : i32 to index
        %get3A_239 = arith.constant 80 : index
        %get3A_240 = tpu.vector_load %arg9[%get3A_238, %get3A_239] {strides = array<i32>} : memref<100x128xf32, #tpu.memory_space<vmem>>, vector<1x16xf32>,
        %get3A_241 = vector.shape_cast %get3A_240 : vector<1x16xf32> to vector<16xf32>
        %add3A_242 = arith.constant 100 : i32
        %add3A_243 = arith.addi %add3A_242, %scan3A_149 : i32
        %get3A_244 = arith.index_cast %add3A_243 : i32 to index
        %get3A_245 = arith.constant 80 : index
        %get3A_246 = tpu.vector_load %arg7[%get3A_244, %get3A_245] {strides = array<i32>} : memref<200x128xf32, #tpu.memory_space<vmem>>, vector<1x16xf32>,
        %get3A_247 = vector.shape_cast %get3A_246 : vector<1x16xf32> to vector<16xf32>
        %add3A_248 = arith.addf %get3A_241, %get3A_247 : vector<16xf32>
        %add3A_249 = arith.constant 100 : i32
        %add3A_250 = arith.addi %add3A_249, %scan3A_149 : i32
        %swap3A_251 = arith.index_cast %add3A_250 : i32 to index
        %swap3A_252 = arith.constant 80 : index
        %swap3A_253 = tpu.vector_load %arg10[%swap3A_251, %swap3A_252] {strides = array<i32>} : memref<200x128xf32, #tpu.memory_space<vmem>>, vector<1x16xf32>,
        %swap3A_254 = vector.shape_cast %swap3A_253 : vector<1x16xf32> to vector<16xf32>
        %swap3A_255 = vector.shape_cast %add3A_248 : vector<16xf32> to vector<1x16xf32>
        tpu.vector_store %arg10[%swap3A_251, %swap3A_252], %swap3A_255 {strides = array<i32>} : memref<200x128xf32, #tpu.memory_space<vmem>>, vector<1x16xf32>,
        %get3A_256 = arith.index_cast %scan3A_149 : i32 to index
        %get3A_257 = arith.constant 96 : index
        %get3A_258 = tpu.vector_load %arg9[%get3A_256, %get3A_257] {strides = array<i32>} : memref<100x128xf32, #tpu.memory_space<vmem>>, vector<1x16xf32>,
        %get3A_259 = vector.shape_cast %get3A_258 : vector<1x16xf32> to vector<16xf32>
        %add3A_260 = arith.constant 100 : i32
        %add3A_261 = arith.addi %add3A_260, %scan3A_149 : i32
        %get3A_262 = arith.index_cast %add3A_261 : i32 to index
        %get3A_263 = arith.constant 96 : index
        %get3A_264 = tpu.vector_load %arg7[%get3A_262, %get3A_263] {strides = array<i32>} : memref<200x128xf32, #tpu.memory_space<vmem>>, vector<1x16xf32>,
        %get3A_265 = vector.shape_cast %get3A_264 : vector<1x16xf32> to vector<16xf32>
        %add3A_266 = arith.addf %get3A_259, %get3A_265 : vector<16xf32>
        %add3A_267 = arith.constant 100 : i32
        %add3A_268 = arith.addi %add3A_267, %scan3A_149 : i32
        %swap3A_269 = arith.index_cast %add3A_268 : i32 to index
        %swap3A_270 = arith.constant 96 : index
        %swap3A_271 = tpu.vector_load %arg10[%swap3A_269, %swap3A_270] {strides = array<i32>} : memref<200x128xf32, #tpu.memory_space<vmem>>, vector<1x16xf32>,
        %swap3A_272 = vector.shape_cast %swap3A_271 : vector<1x16xf32> to vector<16xf32>
        %swap3A_273 = vector.shape_cast %add3A_266 : vector<16xf32> to vector<1x16xf32>
        tpu.vector_store %arg10[%swap3A_269, %swap3A_270], %swap3A_273 {strides = array<i32>} : memref<200x128xf32, #tpu.memory_space<vmem>>, vector<1x16xf32>,
        %get3A_274 = arith.index_cast %scan3A_149 : i32 to index
        %get3A_275 = arith.constant 112 : index
        %get3A_276 = tpu.vector_load %arg9[%get3A_274, %get3A_275] {strides = array<i32>} : memref<100x128xf32, #tpu.memory_space<vmem>>, vector<1x16xf32>,
        %get3A_277 = vector.shape_cast %get3A_276 : vector<1x16xf32> to vector<16xf32>
        %add3A_278 = arith.constant 100 : i32
        %add3A_279 = arith.addi %add3A_278, %scan3A_149 : i32
        %get3A_280 = arith.index_cast %add3A_279 : i32 to index
        %get3A_281 = arith.constant 112 : index
        %get3A_282 = tpu.vector_load %arg7[%get3A_280, %get3A_281] {strides = array<i32>} : memref<200x128xf32, #tpu.memory_space<vmem>>, vector<1x16xf32>,
        %get3A_283 = vector.shape_cast %get3A_282 : vector<1x16xf32> to vector<16xf32>
        %add3A_284 = arith.addf %get3A_277, %get3A_283 : vector<16xf32>
        %add3A_285 = arith.constant 100 : i32
        %add3A_286 = arith.addi %add3A_285, %scan3A_149 : i32
        %swap3A_287 = arith.index_cast %add3A_286 : i32 to index
        %swap3A_288 = arith.constant 112 : index
        %swap3A_289 = tpu.vector_load %arg10[%swap3A_287, %swap3A_288] {strides = array<i32>} : memref<200x128xf32, #tpu.memory_space<vmem>>, vector<1x16xf32>,
        %swap3A_290 = vector.shape_cast %swap3A_289 : vector<1x16xf32> to vector<16xf32>
        %swap3A_291 = vector.shape_cast %add3A_284 : vector<16xf32> to vector<1x16xf32>
        tpu.vector_store %arg10[%swap3A_287, %swap3A_288], %swap3A_291 {strides = array<i32>} : memref<200x128xf32, #tpu.memory_space<vmem>>, vector<1x16xf32>,
      }
      %scan3A_80 = arith.constant 100 : i32
      %mul3A_81 = arith.constant 2 : i32
      %mul3A_82 = arith.muli %mul3A_81, %mul3A_42 : i32
      %add3A_83 = arith.constant 3 : i32
      %add3A_84 = arith.addi %mul3A_82, %add3A_83 : i32
      %dma_start3A_85 = arith.constant 0 : i32
      %dma_start3A_86 = tpu.memref_slice %arg6[%add3A_84, %dma_start3A_85] : memref<64x100xi32, #tpu.memory_space<vmem>> -> memref<1x100xi32, #tpu.memory_space<vmem>>
      %dma_start3A_87 = tpu.memref_squeeze %dma_start3A_86 : memref<1x100xi32, #tpu.memory_space<vmem>> -> memref<100xi32, #tpu.memory_space<vmem>>
      %dma_start3A_88 = arith.constant 0 : i32
      %dma_start3A_89 = arith.constant 0 : i32
      %dma_start3A_90 = tpu.memref_slice %arg3[%dma_start3A_88, %dma_start3A_89] : memref<100000x128xf32, #tpu.memory_space<hbm>> -> memref<100000x128xf32, #tpu.memory_space<hbm>>
      tpu.enqueue_indirect_dma source(%dma_start3A_90 : memref<100000x128xf32, #tpu.memory_space<hbm>>) target(%arg9 : memref<100x128xf32, #tpu.memory_space<vmem>>) offsets(%dma_start3A_87 : memref<100xi32, #tpu.memory_space<vmem>>) semaphore(%arg13 : memref<!tpu.dma_semaphore, #tpu.memory_space<semaphore_mem>>)
      %add3A_91 = arith.addi %mul3A_2, %mul3A_42 : i32
      %dma_start3A_92 = arith.constant 0 : i32
      %dma_start3A_93 = arith.constant 0 : i32
      %dma_start3A_94 = tpu.memref_slice %arg5[%add3A_91, %dma_start3A_92, %dma_start3A_93] : memref<1024x200x128xf32, #tpu.memory_space<hbm>> -> memref<1x200x128xf32, #tpu.memory_space<hbm>>
      %dma_start3A_95 = tpu.memref_squeeze %dma_start3A_94 : memref<1x200x128xf32, #tpu.memory_space<hbm>> -> memref<200x128xf32, #tpu.memory_space<hbm>>
      %dma_start3A_96 = arith.constant 0 : i32
      %dma_start3A_97 = arith.constant 0 : i32
      %dma_start3A_98 = tpu.memref_slice %arg5[%add3A_91, %dma_start3A_96, %dma_start3A_97] : memref<1024x200x128xf32, #tpu.memory_space<hbm>> -> memref<1x200x128xf32, #tpu.memory_space<hbm>>
      %dma_start3A_99 = tpu.memref_squeeze %dma_start3A_98 : memref<1x200x128xf32, #tpu.memory_space<hbm>> -> memref<200x128xf32, #tpu.memory_space<hbm>>
      tpu.enqueue_dma source(%arg10 : memref<200x128xf32, #tpu.memory_space<vmem>>) target(%dma_start3A_99 : memref<200x128xf32, #tpu.memory_space<hbm>>) target_semaphore(%arg14 : memref<!tpu.dma_semaphore, #tpu.memory_space<semaphore_mem>>)
      %add3A_100 = arith.constant 1 : i32
      %add3A_101 = arith.addi %mul3A_42, %add3A_100 : i32
      %lt3A = arith.constant 15 : i32
      %lt3A_102 = arith.cmpi slt, %scan3A_40, %lt3A : i32
      %dma_wait3A_103 = arith.constant 0 : i32
      %dma_wait3A_104 = arith.constant 0 : i32
      %dma_wait3A_105 = tpu.memref_slice %arg6[%dma_wait3A_103, %dma_wait3A_104] : memref<64x100xi32, #tpu.memory_space<vmem>> -> memref<1x100xi32, #tpu.memory_space<vmem>>
      %dma_wait3A_106 = tpu.memref_squeeze %dma_wait3A_105 : memref<1x100xi32, #tpu.memory_space<vmem>> -> memref<100xi32, #tpu.memory_space<vmem>>
      %dma_wait3A_107 = arith.constant 0 : i32
      %dma_wait3A_108 = arith.constant 0 : i32
      %dma_wait3A_109 = tpu.memref_slice %arg3[%dma_wait3A_107, %dma_wait3A_108] : memref<100000x128xf32, #tpu.memory_space<hbm>> -> memref<100000x128xf32, #tpu.memory_space<hbm>>
      tpu.wait_indirect_dma semaphore(%arg12 : memref<!tpu.dma_semaphore, #tpu.memory_space<semaphore_mem>>) src(%dma_wait3A_109 : memref<100000x128xf32, #tpu.memory_space<hbm>>) dst(%arg8 : memref<100x128xf32, #tpu.memory_space<vmem>>)
      %gt3A_110 = arith.constant 0 : i32
      %gt3A_111 = arith.cmpi sgt, %scan3A_40, %gt3A_110 : i32
      %convert_element_type3A_112 = arith.extui %gt3A_111 : i1 to i32
      %cond3A_113 = arith.constant 0 : i32
      %cond3A_114 = arith.cmpi ne, %convert_element_type3A_112, %cond3A_113 : i32
      scf.if %cond3A_114 {
        %dma_wait3A_149 = arith.constant 0 : i32
        %dma_wait3A_150 = arith.constant 0 : i32
        %dma_wait3A_151 = tpu.memref_slice %arg5[%mul3A_2, %dma_wait3A_149, %dma_wait3A_150] : memref<1024x200x128xf32, #tpu.memory_space<hbm>> -> memref<1x200x128xf32, #tpu.memory_space<hbm>>
        %dma_wait3A_152 = tpu.memref_squeeze %dma_wait3A_151 : memref<1x200x128xf32, #tpu.memory_space<hbm>> -> memref<200x128xf32, #tpu.memory_space<hbm>>
        %dma_wait3A_153 = arith.constant 0 : i32
        %dma_wait3A_154 = arith.constant 0 : i32
        %dma_wait3A_155 = tpu.memref_slice %arg5[%mul3A_2, %dma_wait3A_153, %dma_wait3A_154] : memref<1024x200x128xf32, #tpu.memory_space<hbm>> -> memref<1x200x128xf32, #tpu.memory_space<hbm>>
        %dma_wait3A_156 = tpu.memref_squeeze %dma_wait3A_155 : memref<1x200x128xf32, #tpu.memory_space<hbm>> -> memref<200x128xf32, #tpu.memory_space<hbm>>
        tpu.wait_dma2 semaphore(%arg15 : memref<!tpu.dma_semaphore, #tpu.memory_space<semaphore_mem>>) src(%arg11 : memref<200x128xf32, #tpu.memory_space<vmem>>) dst(%dma_wait3A_156 : memref<200x128xf32, #tpu.memory_space<hbm>>)
      } else {
      }
      %scan3A_115 = arith.constant 0 : i32
      %scan3A_116 = arith.constant 0 : i32
      %scan3A_117 = arith.constant 100 : i32
      %scan3A_118 = arith.addi %scan3A_116, %scan3A_117 : i32
      %scan3A_119 = arith.constant 1 : i32
      scf.for %scan3A_149 = %scan3A_116 to %scan3A_118 step %scan3A_119  : i32 {
        %get3A = arith.index_cast %scan3A_149 : i32 to index
        %get3A_150 = arith.constant 0 : index
        %get3A_151 = tpu.vector_load %arg8[%get3A, %get3A_150] {strides = array<i32>} : memref<100x128xf32, #tpu.memory_space<vmem>>, vector<1x16xf32>,
        %get3A_152 = vector.shape_cast %get3A_151 : vector<1x16xf32> to vector<16xf32>
        %add3A_153 = arith.constant 0 : i32
        %add3A_154 = arith.addi %add3A_153, %scan3A_149 : i32
        %get3A_155 = arith.index_cast %add3A_154 : i32 to index
        %get3A_156 = arith.constant 0 : index
        %get3A_157 = tpu.vector_load %arg7[%get3A_155, %get3A_156] {strides = array<i32>} : memref<200x128xf32, #tpu.memory_space<vmem>>, vector<1x16xf32>,
        %get3A_158 = vector.shape_cast %get3A_157 : vector<1x16xf32> to vector<16xf32>
        %add3A_159 = arith.addf %get3A_152, %get3A_158 : vector<16xf32>
        %add3A_160 = arith.constant 0 : i32
        %add3A_161 = arith.addi %add3A_160, %scan3A_149 : i32
        %swap3A = arith.index_cast %add3A_161 : i32 to index
        %swap3A_162 = arith.constant 0 : index
        %swap3A_163 = tpu.vector_load %arg11[%swap3A, %swap3A_162] {strides = array<i32>} : memref<200x128xf32, #tpu.memory_space<vmem>>, vector<1x16xf32>,
        %swap3A_164 = vector.shape_cast %swap3A_163 : vector<1x16xf32> to vector<16xf32>
        %swap3A_165 = vector.shape_cast %add3A_159 : vector<16xf32> to vector<1x16xf32>
        tpu.vector_store %arg11[%swap3A, %swap3A_162], %swap3A_165 {strides = array<i32>} : memref<200x128xf32, #tpu.memory_space<vmem>>, vector<1x16xf32>,
        %get3A_166 = arith.index_cast %scan3A_149 : i32 to index
        %get3A_167 = arith.constant 16 : index
        %get3A_168 = tpu.vector_load %arg8[%get3A_166, %get3A_167] {strides = array<i32>} : memref<100x128xf32, #tpu.memory_space<vmem>>, vector<1x16xf32>,
        %get3A_169 = vector.shape_cast %get3A_168 : vector<1x16xf32> to vector<16xf32>
        %add3A_170 = arith.constant 0 : i32
        %add3A_171 = arith.addi %add3A_170, %scan3A_149 : i32
        %get3A_172 = arith.index_cast %add3A_171 : i32 to index
        %get3A_173 = arith.constant 16 : index
        %get3A_174 = tpu.vector_load %arg7[%get3A_172, %get3A_173] {strides = array<i32>} : memref<200x128xf32, #tpu.memory_space<vmem>>, vector<1x16xf32>,
        %get3A_175 = vector.shape_cast %get3A_174 : vector<1x16xf32> to vector<16xf32>
        %add3A_176 = arith.addf %get3A_169, %get3A_175 : vector<16xf32>
        %add3A_177 = arith.constant 0 : i32
        %add3A_178 = arith.addi %add3A_177, %scan3A_149 : i32
        %swap3A_179 = arith.index_cast %add3A_178 : i32 to index
        %swap3A_180 = arith.constant 16 : index
        %swap3A_181 = tpu.vector_load %arg11[%swap3A_179, %swap3A_180] {strides = array<i32>} : memref<200x128xf32, #tpu.memory_space<vmem>>, vector<1x16xf32>,
        %swap3A_182 = vector.shape_cast %swap3A_181 : vector<1x16xf32> to vector<16xf32>
        %swap3A_183 = vector.shape_cast %add3A_176 : vector<16xf32> to vector<1x16xf32>
        tpu.vector_store %arg11[%swap3A_179, %swap3A_180], %swap3A_183 {strides = array<i32>} : memref<200x128xf32, #tpu.memory_space<vmem>>, vector<1x16xf32>,
        %get3A_184 = arith.index_cast %scan3A_149 : i32 to index
        %get3A_185 = arith.constant 32 : index
        %get3A_186 = tpu.vector_load %arg8[%get3A_184, %get3A_185] {strides = array<i32>} : memref<100x128xf32, #tpu.memory_space<vmem>>, vector<1x16xf32>,
        %get3A_187 = vector.shape_cast %get3A_186 : vector<1x16xf32> to vector<16xf32>
        %add3A_188 = arith.constant 0 : i32
        %add3A_189 = arith.addi %add3A_188, %scan3A_149 : i32
        %get3A_190 = arith.index_cast %add3A_189 : i32 to index
        %get3A_191 = arith.constant 32 : index
        %get3A_192 = tpu.vector_load %arg7[%get3A_190, %get3A_191] {strides = array<i32>} : memref<200x128xf32, #tpu.memory_space<vmem>>, vector<1x16xf32>,
        %get3A_193 = vector.shape_cast %get3A_192 : vector<1x16xf32> to vector<16xf32>
        %add3A_194 = arith.addf %get3A_187, %get3A_193 : vector<16xf32>
        %add3A_195 = arith.constant 0 : i32
        %add3A_196 = arith.addi %add3A_195, %scan3A_149 : i32
        %swap3A_197 = arith.index_cast %add3A_196 : i32 to index
        %swap3A_198 = arith.constant 32 : index
        %swap3A_199 = tpu.vector_load %arg11[%swap3A_197, %swap3A_198] {strides = array<i32>} : memref<200x128xf32, #tpu.memory_space<vmem>>, vector<1x16xf32>,
        %swap3A_200 = vector.shape_cast %swap3A_199 : vector<1x16xf32> to vector<16xf32>
        %swap3A_201 = vector.shape_cast %add3A_194 : vector<16xf32> to vector<1x16xf32>
        tpu.vector_store %arg11[%swap3A_197, %swap3A_198], %swap3A_201 {strides = array<i32>} : memref<200x128xf32, #tpu.memory_space<vmem>>, vector<1x16xf32>,
        %get3A_202 = arith.index_cast %scan3A_149 : i32 to index
        %get3A_203 = arith.constant 48 : index
        %get3A_204 = tpu.vector_load %arg8[%get3A_202, %get3A_203] {strides = array<i32>} : memref<100x128xf32, #tpu.memory_space<vmem>>, vector<1x16xf32>,
        %get3A_205 = vector.shape_cast %get3A_204 : vector<1x16xf32> to vector<16xf32>
        %add3A_206 = arith.constant 0 : i32
        %add3A_207 = arith.addi %add3A_206, %scan3A_149 : i32
        %get3A_208 = arith.index_cast %add3A_207 : i32 to index
        %get3A_209 = arith.constant 48 : index
        %get3A_210 = tpu.vector_load %arg7[%get3A_208, %get3A_209] {strides = array<i32>} : memref<200x128xf32, #tpu.memory_space<vmem>>, vector<1x16xf32>,
        %get3A_211 = vector.shape_cast %get3A_210 : vector<1x16xf32> to vector<16xf32>
        %add3A_212 = arith.addf %get3A_205, %get3A_211 : vector<16xf32>
        %add3A_213 = arith.constant 0 : i32
        %add3A_214 = arith.addi %add3A_213, %scan3A_149 : i32
        %swap3A_215 = arith.index_cast %add3A_214 : i32 to index
        %swap3A_216 = arith.constant 48 : index
        %swap3A_217 = tpu.vector_load %arg11[%swap3A_215, %swap3A_216] {strides = array<i32>} : memref<200x128xf32, #tpu.memory_space<vmem>>, vector<1x16xf32>,
        %swap3A_218 = vector.shape_cast %swap3A_217 : vector<1x16xf32> to vector<16xf32>
        %swap3A_219 = vector.shape_cast %add3A_212 : vector<16xf32> to vector<1x16xf32>
        tpu.vector_store %arg11[%swap3A_215, %swap3A_216], %swap3A_219 {strides = array<i32>} : memref<200x128xf32, #tpu.memory_space<vmem>>, vector<1x16xf32>,
        %get3A_220 = arith.index_cast %scan3A_149 : i32 to index
        %get3A_221 = arith.constant 64 : index
        %get3A_222 = tpu.vector_load %arg8[%get3A_220, %get3A_221] {strides = array<i32>} : memref<100x128xf32, #tpu.memory_space<vmem>>, vector<1x16xf32>,
        %get3A_223 = vector.shape_cast %get3A_222 : vector<1x16xf32> to vector<16xf32>
        %add3A_224 = arith.constant 0 : i32
        %add3A_225 = arith.addi %add3A_224, %scan3A_149 : i32
        %get3A_226 = arith.index_cast %add3A_225 : i32 to index
        %get3A_227 = arith.constant 64 : index
        %get3A_228 = tpu.vector_load %arg7[%get3A_226, %get3A_227] {strides = array<i32>} : memref<200x128xf32, #tpu.memory_space<vmem>>, vector<1x16xf32>,
        %get3A_229 = vector.shape_cast %get3A_228 : vector<1x16xf32> to vector<16xf32>
        %add3A_230 = arith.addf %get3A_223, %get3A_229 : vector<16xf32>
        %add3A_231 = arith.constant 0 : i32
        %add3A_232 = arith.addi %add3A_231, %scan3A_149 : i32
        %swap3A_233 = arith.index_cast %add3A_232 : i32 to index
        %swap3A_234 = arith.constant 64 : index
        %swap3A_235 = tpu.vector_load %arg11[%swap3A_233, %swap3A_234] {strides = array<i32>} : memref<200x128xf32, #tpu.memory_space<vmem>>, vector<1x16xf32>,
        %swap3A_236 = vector.shape_cast %swap3A_235 : vector<1x16xf32> to vector<16xf32>
        %swap3A_237 = vector.shape_cast %add3A_230 : vector<16xf32> to vector<1x16xf32>
        tpu.vector_store %arg11[%swap3A_233, %swap3A_234], %swap3A_237 {strides = array<i32>} : memref<200x128xf32, #tpu.memory_space<vmem>>, vector<1x16xf32>,
        %get3A_238 = arith.index_cast %scan3A_149 : i32 to index
        %get3A_239 = arith.constant 80 : index
        %get3A_240 = tpu.vector_load %arg8[%get3A_238, %get3A_239] {strides = array<i32>} : memref<100x128xf32, #tpu.memory_space<vmem>>, vector<1x16xf32>,
        %get3A_241 = vector.shape_cast %get3A_240 : vector<1x16xf32> to vector<16xf32>
        %add3A_242 = arith.constant 0 : i32
        %add3A_243 = arith.addi %add3A_242, %scan3A_149 : i32
        %get3A_244 = arith.index_cast %add3A_243 : i32 to index
        %get3A_245 = arith.constant 80 : index
        %get3A_246 = tpu.vector_load %arg7[%get3A_244, %get3A_245] {strides = array<i32>} : memref<200x128xf32, #tpu.memory_space<vmem>>, vector<1x16xf32>,
        %get3A_247 = vector.shape_cast %get3A_246 : vector<1x16xf32> to vector<16xf32>
        %add3A_248 = arith.addf %get3A_241, %get3A_247 : vector<16xf32>
        %add3A_249 = arith.constant 0 : i32
        %add3A_250 = arith.addi %add3A_249, %scan3A_149 : i32
        %swap3A_251 = arith.index_cast %add3A_250 : i32 to index
        %swap3A_252 = arith.constant 80 : index
        %swap3A_253 = tpu.vector_load %arg11[%swap3A_251, %swap3A_252] {strides = array<i32>} : memref<200x128xf32, #tpu.memory_space<vmem>>, vector<1x16xf32>,
        %swap3A_254 = vector.shape_cast %swap3A_253 : vector<1x16xf32> to vector<16xf32>
        %swap3A_255 = vector.shape_cast %add3A_248 : vector<16xf32> to vector<1x16xf32>
        tpu.vector_store %arg11[%swap3A_251, %swap3A_252], %swap3A_255 {strides = array<i32>} : memref<200x128xf32, #tpu.memory_space<vmem>>, vector<1x16xf32>,
        %get3A_256 = arith.index_cast %scan3A_149 : i32 to index
        %get3A_257 = arith.constant 96 : index
        %get3A_258 = tpu.vector_load %arg8[%get3A_256, %get3A_257] {strides = array<i32>} : memref<100x128xf32, #tpu.memory_space<vmem>>, vector<1x16xf32>,
        %get3A_259 = vector.shape_cast %get3A_258 : vector<1x16xf32> to vector<16xf32>
        %add3A_260 = arith.constant 0 : i32
        %add3A_261 = arith.addi %add3A_260, %scan3A_149 : i32
        %get3A_262 = arith.index_cast %add3A_261 : i32 to index
        %get3A_263 = arith.constant 96 : index
        %get3A_264 = tpu.vector_load %arg7[%get3A_262, %get3A_263] {strides = array<i32>} : memref<200x128xf32, #tpu.memory_space<vmem>>, vector<1x16xf32>,
        %get3A_265 = vector.shape_cast %get3A_264 : vector<1x16xf32> to vector<16xf32>
        %add3A_266 = arith.addf %get3A_259, %get3A_265 : vector<16xf32>
        %add3A_267 = arith.constant 0 : i32
        %add3A_268 = arith.addi %add3A_267, %scan3A_149 : i32
        %swap3A_269 = arith.index_cast %add3A_268 : i32 to index
        %swap3A_270 = arith.constant 96 : index
        %swap3A_271 = tpu.vector_load %arg11[%swap3A_269, %swap3A_270] {strides = array<i32>} : memref<200x128xf32, #tpu.memory_space<vmem>>, vector<1x16xf32>,
        %swap3A_272 = vector.shape_cast %swap3A_271 : vector<1x16xf32> to vector<16xf32>
        %swap3A_273 = vector.shape_cast %add3A_266 : vector<16xf32> to vector<1x16xf32>
        tpu.vector_store %arg11[%swap3A_269, %swap3A_270], %swap3A_273 {strides = array<i32>} : memref<200x128xf32, #tpu.memory_space<vmem>>, vector<1x16xf32>,
        %get3A_274 = arith.index_cast %scan3A_149 : i32 to index
        %get3A_275 = arith.constant 112 : index
        %get3A_276 = tpu.vector_load %arg8[%get3A_274, %get3A_275] {strides = array<i32>} : memref<100x128xf32, #tpu.memory_space<vmem>>, vector<1x16xf32>,
        %get3A_277 = vector.shape_cast %get3A_276 : vector<1x16xf32> to vector<16xf32>
        %add3A_278 = arith.constant 0 : i32
        %add3A_279 = arith.addi %add3A_278, %scan3A_149 : i32
        %get3A_280 = arith.index_cast %add3A_279 : i32 to index
        %get3A_281 = arith.constant 112 : index
        %get3A_282 = tpu.vector_load %arg7[%get3A_280, %get3A_281] {strides = array<i32>} : memref<200x128xf32, #tpu.memory_space<vmem>>, vector<1x16xf32>,
        %get3A_283 = vector.shape_cast %get3A_282 : vector<1x16xf32> to vector<16xf32>
        %add3A_284 = arith.addf %get3A_277, %get3A_283 : vector<16xf32>
        %add3A_285 = arith.constant 0 : i32
        %add3A_286 = arith.addi %add3A_285, %scan3A_149 : i32
        %swap3A_287 = arith.index_cast %add3A_286 : i32 to index
        %swap3A_288 = arith.constant 112 : index
        %swap3A_289 = tpu.vector_load %arg11[%swap3A_287, %swap3A_288] {strides = array<i32>} : memref<200x128xf32, #tpu.memory_space<vmem>>, vector<1x16xf32>,
        %swap3A_290 = vector.shape_cast %swap3A_289 : vector<1x16xf32> to vector<16xf32>
        %swap3A_291 = vector.shape_cast %add3A_284 : vector<16xf32> to vector<1x16xf32>
        tpu.vector_store %arg11[%swap3A_287, %swap3A_288], %swap3A_291 {strides = array<i32>} : memref<200x128xf32, #tpu.memory_space<vmem>>, vector<1x16xf32>,
      }
      %scan3A_120 = arith.constant 100 : i32
      %convert_element_type3A_121 = arith.extui %lt3A_102 : i1 to i32
      %cond3A_122 = arith.constant 0 : i32
      %cond3A_123 = arith.cmpi ne, %convert_element_type3A_121, %cond3A_122 : i32
      scf.if %cond3A_123 {
        %mul3A_149 = arith.constant 2 : i32
        %mul3A_150 = arith.muli %mul3A_149, %add3A_101 : i32
        %add3A_151 = arith.constant 2 : i32
        %add3A_152 = arith.addi %mul3A_150, %add3A_151 : i32
        %dma_start3A_153 = arith.constant 0 : i32
        %dma_start3A_154 = tpu.memref_slice %arg6[%add3A_152, %dma_start3A_153] : memref<64x100xi32, #tpu.memory_space<vmem>> -> memref<1x100xi32, #tpu.memory_space<vmem>>
        %dma_start3A_155 = tpu.memref_squeeze %dma_start3A_154 : memref<1x100xi32, #tpu.memory_space<vmem>> -> memref<100xi32, #tpu.memory_space<vmem>>
        %dma_start3A_156 = arith.constant 0 : i32
        %dma_start3A_157 = arith.constant 0 : i32
        %dma_start3A_158 = tpu.memref_slice %arg3[%dma_start3A_156, %dma_start3A_157] : memref<100000x128xf32, #tpu.memory_space<hbm>> -> memref<100000x128xf32, #tpu.memory_space<hbm>>
        tpu.enqueue_indirect_dma source(%dma_start3A_158 : memref<100000x128xf32, #tpu.memory_space<hbm>>) target(%arg8 : memref<100x128xf32, #tpu.memory_space<vmem>>) offsets(%dma_start3A_155 : memref<100xi32, #tpu.memory_space<vmem>>) semaphore(%arg12 : memref<!tpu.dma_semaphore, #tpu.memory_space<semaphore_mem>>)
      } else {
      }
      %dma_wait3A_124 = arith.constant 0 : i32
      %dma_wait3A_125 = arith.constant 0 : i32
      %dma_wait3A_126 = tpu.memref_slice %arg6[%dma_wait3A_124, %dma_wait3A_125] : memref<64x100xi32, #tpu.memory_space<vmem>> -> memref<1x100xi32, #tpu.memory_space<vmem>>
      %dma_wait3A_127 = tpu.memref_squeeze %dma_wait3A_126 : memref<1x100xi32, #tpu.memory_space<vmem>> -> memref<100xi32, #tpu.memory_space<vmem>>
      %dma_wait3A_128 = arith.constant 0 : i32
      %dma_wait3A_129 = arith.constant 0 : i32
      %dma_wait3A_130 = tpu.memref_slice %arg3[%dma_wait3A_128, %dma_wait3A_129] : memref<100000x128xf32, #tpu.memory_space<hbm>> -> memref<100000x128xf32, #tpu.memory_space<hbm>>
      tpu.wait_indirect_dma semaphore(%arg13 : memref<!tpu.dma_semaphore, #tpu.memory_space<semaphore_mem>>) src(%dma_wait3A_130 : memref<100000x128xf32, #tpu.memory_space<hbm>>) dst(%arg9 : memref<100x128xf32, #tpu.memory_space<vmem>>)
      %scan3A_131 = arith.constant 0 : i32
      %scan3A_132 = arith.constant 0 : i32
      %scan3A_133 = arith.constant 100 : i32
      %scan3A_134 = arith.addi %scan3A_132, %scan3A_133 : i32
      %scan3A_135 = arith.constant 1 : i32
      scf.for %scan3A_149 = %scan3A_132 to %scan3A_134 step %scan3A_135  : i32 {
        %get3A = arith.index_cast %scan3A_149 : i32 to index
        %get3A_150 = arith.constant 0 : index
        %get3A_151 = tpu.vector_load %arg9[%get3A, %get3A_150] {strides = array<i32>} : memref<100x128xf32, #tpu.memory_space<vmem>>, vector<1x16xf32>,
        %get3A_152 = vector.shape_cast %get3A_151 : vector<1x16xf32> to vector<16xf32>
        %add3A_153 = arith.constant 100 : i32
        %add3A_154 = arith.addi %add3A_153, %scan3A_149 : i32
        %get3A_155 = arith.index_cast %add3A_154 : i32 to index
        %get3A_156 = arith.constant 0 : index
        %get3A_157 = tpu.vector_load %arg7[%get3A_155, %get3A_156] {strides = array<i32>} : memref<200x128xf32, #tpu.memory_space<vmem>>, vector<1x16xf32>,
        %get3A_158 = vector.shape_cast %get3A_157 : vector<1x16xf32> to vector<16xf32>
        %add3A_159 = arith.addf %get3A_152, %get3A_158 : vector<16xf32>
        %add3A_160 = arith.constant 100 : i32
        %add3A_161 = arith.addi %add3A_160, %scan3A_149 : i32
        %swap3A = arith.index_cast %add3A_161 : i32 to index
        %swap3A_162 = arith.constant 0 : index
        %swap3A_163 = tpu.vector_load %arg11[%swap3A, %swap3A_162] {strides = array<i32>} : memref<200x128xf32, #tpu.memory_space<vmem>>, vector<1x16xf32>,
        %swap3A_164 = vector.shape_cast %swap3A_163 : vector<1x16xf32> to vector<16xf32>
        %swap3A_165 = vector.shape_cast %add3A_159 : vector<16xf32> to vector<1x16xf32>
        tpu.vector_store %arg11[%swap3A, %swap3A_162], %swap3A_165 {strides = array<i32>} : memref<200x128xf32, #tpu.memory_space<vmem>>, vector<1x16xf32>,
        %get3A_166 = arith.index_cast %scan3A_149 : i32 to index
        %get3A_167 = arith.constant 16 : index
        %get3A_168 = tpu.vector_load %arg9[%get3A_166, %get3A_167] {strides = array<i32>} : memref<100x128xf32, #tpu.memory_space<vmem>>, vector<1x16xf32>,
        %get3A_169 = vector.shape_cast %get3A_168 : vector<1x16xf32> to vector<16xf32>
        %add3A_170 = arith.constant 100 : i32
        %add3A_171 = arith.addi %add3A_170, %scan3A_149 : i32
        %get3A_172 = arith.index_cast %add3A_171 : i32 to index
        %get3A_173 = arith.constant 16 : index
        %get3A_174 = tpu.vector_load %arg7[%get3A_172, %get3A_173] {strides = array<i32>} : memref<200x128xf32, #tpu.memory_space<vmem>>, vector<1x16xf32>,
        %get3A_175 = vector.shape_cast %get3A_174 : vector<1x16xf32> to vector<16xf32>
        %add3A_176 = arith.addf %get3A_169, %get3A_175 : vector<16xf32>
        %add3A_177 = arith.constant 100 : i32
        %add3A_178 = arith.addi %add3A_177, %scan3A_149 : i32
        %swap3A_179 = arith.index_cast %add3A_178 : i32 to index
        %swap3A_180 = arith.constant 16 : index
        %swap3A_181 = tpu.vector_load %arg11[%swap3A_179, %swap3A_180] {strides = array<i32>} : memref<200x128xf32, #tpu.memory_space<vmem>>, vector<1x16xf32>,
        %swap3A_182 = vector.shape_cast %swap3A_181 : vector<1x16xf32> to vector<16xf32>
        %swap3A_183 = vector.shape_cast %add3A_176 : vector<16xf32> to vector<1x16xf32>
        tpu.vector_store %arg11[%swap3A_179, %swap3A_180], %swap3A_183 {strides = array<i32>} : memref<200x128xf32, #tpu.memory_space<vmem>>, vector<1x16xf32>,
        %get3A_184 = arith.index_cast %scan3A_149 : i32 to index
        %get3A_185 = arith.constant 32 : index
        %get3A_186 = tpu.vector_load %arg9[%get3A_184, %get3A_185] {strides = array<i32>} : memref<100x128xf32, #tpu.memory_space<vmem>>, vector<1x16xf32>,
        %get3A_187 = vector.shape_cast %get3A_186 : vector<1x16xf32> to vector<16xf32>
        %add3A_188 = arith.constant 100 : i32
        %add3A_189 = arith.addi %add3A_188, %scan3A_149 : i32
        %get3A_190 = arith.index_cast %add3A_189 : i32 to index
        %get3A_191 = arith.constant 32 : index
        %get3A_192 = tpu.vector_load %arg7[%get3A_190, %get3A_191] {strides = array<i32>} : memref<200x128xf32, #tpu.memory_space<vmem>>, vector<1x16xf32>,
        %get3A_193 = vector.shape_cast %get3A_192 : vector<1x16xf32> to vector<16xf32>
        %add3A_194 = arith.addf %get3A_187, %get3A_193 : vector<16xf32>
        %add3A_195 = arith.constant 100 : i32
        %add3A_196 = arith.addi %add3A_195, %scan3A_149 : i32
        %swap3A_197 = arith.index_cast %add3A_196 : i32 to index
        %swap3A_198 = arith.constant 32 : index
        %swap3A_199 = tpu.vector_load %arg11[%swap3A_197, %swap3A_198] {strides = array<i32>} : memref<200x128xf32, #tpu.memory_space<vmem>>, vector<1x16xf32>,
        %swap3A_200 = vector.shape_cast %swap3A_199 : vector<1x16xf32> to vector<16xf32>
        %swap3A_201 = vector.shape_cast %add3A_194 : vector<16xf32> to vector<1x16xf32>
        tpu.vector_store %arg11[%swap3A_197, %swap3A_198], %swap3A_201 {strides = array<i32>} : memref<200x128xf32, #tpu.memory_space<vmem>>, vector<1x16xf32>,
        %get3A_202 = arith.index_cast %scan3A_149 : i32 to index
        %get3A_203 = arith.constant 48 : index
        %get3A_204 = tpu.vector_load %arg9[%get3A_202, %get3A_203] {strides = array<i32>} : memref<100x128xf32, #tpu.memory_space<vmem>>, vector<1x16xf32>,
        %get3A_205 = vector.shape_cast %get3A_204 : vector<1x16xf32> to vector<16xf32>
        %add3A_206 = arith.constant 100 : i32
        %add3A_207 = arith.addi %add3A_206, %scan3A_149 : i32
        %get3A_208 = arith.index_cast %add3A_207 : i32 to index
        %get3A_209 = arith.constant 48 : index
        %get3A_210 = tpu.vector_load %arg7[%get3A_208, %get3A_209] {strides = array<i32>} : memref<200x128xf32, #tpu.memory_space<vmem>>, vector<1x16xf32>,
        %get3A_211 = vector.shape_cast %get3A_210 : vector<1x16xf32> to vector<16xf32>
        %add3A_212 = arith.addf %get3A_205, %get3A_211 : vector<16xf32>
        %add3A_213 = arith.constant 100 : i32
        %add3A_214 = arith.addi %add3A_213, %scan3A_149 : i32
        %swap3A_215 = arith.index_cast %add3A_214 : i32 to index
        %swap3A_216 = arith.constant 48 : index
        %swap3A_217 = tpu.vector_load %arg11[%swap3A_215, %swap3A_216] {strides = array<i32>} : memref<200x128xf32, #tpu.memory_space<vmem>>, vector<1x16xf32>,
        %swap3A_218 = vector.shape_cast %swap3A_217 : vector<1x16xf32> to vector<16xf32>
        %swap3A_219 = vector.shape_cast %add3A_212 : vector<16xf32> to vector<1x16xf32>
        tpu.vector_store %arg11[%swap3A_215, %swap3A_216], %swap3A_219 {strides = array<i32>} : memref<200x128xf32, #tpu.memory_space<vmem>>, vector<1x16xf32>,
        %get3A_220 = arith.index_cast %scan3A_149 : i32 to index
        %get3A_221 = arith.constant 64 : index
        %get3A_222 = tpu.vector_load %arg9[%get3A_220, %get3A_221] {strides = array<i32>} : memref<100x128xf32, #tpu.memory_space<vmem>>, vector<1x16xf32>,
        %get3A_223 = vector.shape_cast %get3A_222 : vector<1x16xf32> to vector<16xf32>
        %add3A_224 = arith.constant 100 : i32
        %add3A_225 = arith.addi %add3A_224, %scan3A_149 : i32
        %get3A_226 = arith.index_cast %add3A_225 : i32 to index
        %get3A_227 = arith.constant 64 : index
        %get3A_228 = tpu.vector_load %arg7[%get3A_226, %get3A_227] {strides = array<i32>} : memref<200x128xf32, #tpu.memory_space<vmem>>, vector<1x16xf32>,
        %get3A_229 = vector.shape_cast %get3A_228 : vector<1x16xf32> to vector<16xf32>
        %add3A_230 = arith.addf %get3A_223, %get3A_229 : vector<16xf32>
        %add3A_231 = arith.constant 100 : i32
        %add3A_232 = arith.addi %add3A_231, %scan3A_149 : i32
        %swap3A_233 = arith.index_cast %add3A_232 : i32 to index
        %swap3A_234 = arith.constant 64 : index
        %swap3A_235 = tpu.vector_load %arg11[%swap3A_233, %swap3A_234] {strides = array<i32>} : memref<200x128xf32, #tpu.memory_space<vmem>>, vector<1x16xf32>,
        %swap3A_236 = vector.shape_cast %swap3A_235 : vector<1x16xf32> to vector<16xf32>
        %swap3A_237 = vector.shape_cast %add3A_230 : vector<16xf32> to vector<1x16xf32>
        tpu.vector_store %arg11[%swap3A_233, %swap3A_234], %swap3A_237 {strides = array<i32>} : memref<200x128xf32, #tpu.memory_space<vmem>>, vector<1x16xf32>,
        %get3A_238 = arith.index_cast %scan3A_149 : i32 to index
        %get3A_239 = arith.constant 80 : index
        %get3A_240 = tpu.vector_load %arg9[%get3A_238, %get3A_239] {strides = array<i32>} : memref<100x128xf32, #tpu.memory_space<vmem>>, vector<1x16xf32>,
        %get3A_241 = vector.shape_cast %get3A_240 : vector<1x16xf32> to vector<16xf32>
        %add3A_242 = arith.constant 100 : i32
        %add3A_243 = arith.addi %add3A_242, %scan3A_149 : i32
        %get3A_244 = arith.index_cast %add3A_243 : i32 to index
        %get3A_245 = arith.constant 80 : index
        %get3A_246 = tpu.vector_load %arg7[%get3A_244, %get3A_245] {strides = array<i32>} : memref<200x128xf32, #tpu.memory_space<vmem>>, vector<1x16xf32>,
        %get3A_247 = vector.shape_cast %get3A_246 : vector<1x16xf32> to vector<16xf32>
        %add3A_248 = arith.addf %get3A_241, %get3A_247 : vector<16xf32>
        %add3A_249 = arith.constant 100 : i32
        %add3A_250 = arith.addi %add3A_249, %scan3A_149 : i32
        %swap3A_251 = arith.index_cast %add3A_250 : i32 to index
        %swap3A_252 = arith.constant 80 : index
        %swap3A_253 = tpu.vector_load %arg11[%swap3A_251, %swap3A_252] {strides = array<i32>} : memref<200x128xf32, #tpu.memory_space<vmem>>, vector<1x16xf32>,
        %swap3A_254 = vector.shape_cast %swap3A_253 : vector<1x16xf32> to vector<16xf32>
        %swap3A_255 = vector.shape_cast %add3A_248 : vector<16xf32> to vector<1x16xf32>
        tpu.vector_store %arg11[%swap3A_251, %swap3A_252], %swap3A_255 {strides = array<i32>} : memref<200x128xf32, #tpu.memory_space<vmem>>, vector<1x16xf32>,
        %get3A_256 = arith.index_cast %scan3A_149 : i32 to index
        %get3A_257 = arith.constant 96 : index
        %get3A_258 = tpu.vector_load %arg9[%get3A_256, %get3A_257] {strides = array<i32>} : memref<100x128xf32, #tpu.memory_space<vmem>>, vector<1x16xf32>,
        %get3A_259 = vector.shape_cast %get3A_258 : vector<1x16xf32> to vector<16xf32>
        %add3A_260 = arith.constant 100 : i32
        %add3A_261 = arith.addi %add3A_260, %scan3A_149 : i32
        %get3A_262 = arith.index_cast %add3A_261 : i32 to index
        %get3A_263 = arith.constant 96 : index
        %get3A_264 = tpu.vector_load %arg7[%get3A_262, %get3A_263] {strides = array<i32>} : memref<200x128xf32, #tpu.memory_space<vmem>>, vector<1x16xf32>,
        %get3A_265 = vector.shape_cast %get3A_264 : vector<1x16xf32> to vector<16xf32>
        %add3A_266 = arith.addf %get3A_259, %get3A_265 : vector<16xf32>
        %add3A_267 = arith.constant 100 : i32
        %add3A_268 = arith.addi %add3A_267, %scan3A_149 : i32
        %swap3A_269 = arith.index_cast %add3A_268 : i32 to index
        %swap3A_270 = arith.constant 96 : index
        %swap3A_271 = tpu.vector_load %arg11[%swap3A_269, %swap3A_270] {strides = array<i32>} : memref<200x128xf32, #tpu.memory_space<vmem>>, vector<1x16xf32>,
        %swap3A_272 = vector.shape_cast %swap3A_271 : vector<1x16xf32> to vector<16xf32>
        %swap3A_273 = vector.shape_cast %add3A_266 : vector<16xf32> to vector<1x16xf32>
        tpu.vector_store %arg11[%swap3A_269, %swap3A_270], %swap3A_273 {strides = array<i32>} : memref<200x128xf32, #tpu.memory_space<vmem>>, vector<1x16xf32>,
        %get3A_274 = arith.index_cast %scan3A_149 : i32 to index
        %get3A_275 = arith.constant 112 : index
        %get3A_276 = tpu.vector_load %arg9[%get3A_274, %get3A_275] {strides = array<i32>} : memref<100x128xf32, #tpu.memory_space<vmem>>, vector<1x16xf32>,
        %get3A_277 = vector.shape_cast %get3A_276 : vector<1x16xf32> to vector<16xf32>
        %add3A_278 = arith.constant 100 : i32
        %add3A_279 = arith.addi %add3A_278, %scan3A_149 : i32
        %get3A_280 = arith.index_cast %add3A_279 : i32 to index
        %get3A_281 = arith.constant 112 : index
        %get3A_282 = tpu.vector_load %arg7[%get3A_280, %get3A_281] {strides = array<i32>} : memref<200x128xf32, #tpu.memory_space<vmem>>, vector<1x16xf32>,
        %get3A_283 = vector.shape_cast %get3A_282 : vector<1x16xf32> to vector<16xf32>
        %add3A_284 = arith.addf %get3A_277, %get3A_283 : vector<16xf32>
        %add3A_285 = arith.constant 100 : i32
        %add3A_286 = arith.addi %add3A_285, %scan3A_149 : i32
        %swap3A_287 = arith.index_cast %add3A_286 : i32 to index
        %swap3A_288 = arith.constant 112 : index
        %swap3A_289 = tpu.vector_load %arg11[%swap3A_287, %swap3A_288] {strides = array<i32>} : memref<200x128xf32, #tpu.memory_space<vmem>>, vector<1x16xf32>,
        %swap3A_290 = vector.shape_cast %swap3A_289 : vector<1x16xf32> to vector<16xf32>
        %swap3A_291 = vector.shape_cast %add3A_284 : vector<16xf32> to vector<1x16xf32>
        tpu.vector_store %arg11[%swap3A_287, %swap3A_288], %swap3A_291 {strides = array<i32>} : memref<200x128xf32, #tpu.memory_space<vmem>>, vector<1x16xf32>,
      }
      %scan3A_136 = arith.constant 100 : i32
      %convert_element_type3A_137 = arith.extui %lt3A_102 : i1 to i32
      %cond3A_138 = arith.constant 0 : i32
      %cond3A_139 = arith.cmpi ne, %convert_element_type3A_137, %cond3A_138 : i32
      scf.if %cond3A_139 {
        %mul3A_149 = arith.constant 2 : i32
        %mul3A_150 = arith.muli %mul3A_149, %add3A_101 : i32
        %add3A_151 = arith.constant 3 : i32
        %add3A_152 = arith.addi %mul3A_150, %add3A_151 : i32
        %dma_start3A_153 = arith.constant 0 : i32
        %dma_start3A_154 = tpu.memref_slice %arg6[%add3A_152, %dma_start3A_153] : memref<64x100xi32, #tpu.memory_space<vmem>> -> memref<1x100xi32, #tpu.memory_space<vmem>>
        %dma_start3A_155 = tpu.memref_squeeze %dma_start3A_154 : memref<1x100xi32, #tpu.memory_space<vmem>> -> memref<100xi32, #tpu.memory_space<vmem>>
        %dma_start3A_156 = arith.constant 0 : i32
        %dma_start3A_157 = arith.constant 0 : i32
        %dma_start3A_158 = tpu.memref_slice %arg3[%dma_start3A_156, %dma_start3A_157] : memref<100000x128xf32, #tpu.memory_space<hbm>> -> memref<100000x128xf32, #tpu.memory_space<hbm>>
        tpu.enqueue_indirect_dma source(%dma_start3A_158 : memref<100000x128xf32, #tpu.memory_space<hbm>>) target(%arg9 : memref<100x128xf32, #tpu.memory_space<vmem>>) offsets(%dma_start3A_155 : memref<100xi32, #tpu.memory_space<vmem>>) semaphore(%arg13 : memref<!tpu.dma_semaphore, #tpu.memory_space<semaphore_mem>>)
      } else {
      }
      %add3A_140 = arith.addi %mul3A_2, %add3A_101 : i32
      %dma_start3A_141 = arith.constant 0 : i32
      %dma_start3A_142 = arith.constant 0 : i32
      %dma_start3A_143 = tpu.memref_slice %arg5[%add3A_140, %dma_start3A_141, %dma_start3A_142] : memref<1024x200x128xf32, #tpu.memory_space<hbm>> -> memref<1x200x128xf32, #tpu.memory_space<hbm>>
      %dma_start3A_144 = tpu.memref_squeeze %dma_start3A_143 : memref<1x200x128xf32, #tpu.memory_space<hbm>> -> memref<200x128xf32, #tpu.memory_space<hbm>>
      %dma_start3A_145 = arith.constant 0 : i32
      %dma_start3A_146 = arith.constant 0 : i32
      %dma_start3A_147 = tpu.memref_slice %arg5[%add3A_140, %dma_start3A_145, %dma_start3A_146] : memref<1024x200x128xf32, #tpu.memory_space<hbm>> -> memref<1x200x128xf32, #tpu.memory_space<hbm>>
      %dma_start3A_148 = tpu.memref_squeeze %dma_start3A_147 : memref<1x200x128xf32, #tpu.memory_space<hbm>> -> memref<200x128xf32, #tpu.memory_space<hbm>>
      tpu.enqueue_dma source(%arg11 : memref<200x128xf32, #tpu.memory_space<vmem>>) target(%dma_start3A_148 : memref<200x128xf32, #tpu.memory_space<hbm>>) target_semaphore(%arg15 : memref<!tpu.dma_semaphore, #tpu.memory_space<semaphore_mem>>)
    }
    %scan3A_24 = arith.constant 16 : i32
    %dma_wait3A = arith.constant 0 : i32
    %dma_wait3A_25 = arith.constant 0 : i32
    %dma_wait3A_26 = tpu.memref_slice %arg5[%mul3A_2, %dma_wait3A, %dma_wait3A_25] : memref<1024x200x128xf32, #tpu.memory_space<hbm>> -> memref<1x200x128xf32, #tpu.memory_space<hbm>>
    %dma_wait3A_27 = tpu.memref_squeeze %dma_wait3A_26 : memref<1x200x128xf32, #tpu.memory_space<hbm>> -> memref<200x128xf32, #tpu.memory_space<hbm>>
    %dma_wait3A_28 = arith.constant 0 : i32
    %dma_wait3A_29 = arith.constant 0 : i32
    %dma_wait3A_30 = tpu.memref_slice %arg5[%mul3A_2, %dma_wait3A_28, %dma_wait3A_29] : memref<1024x200x128xf32, #tpu.memory_space<hbm>> -> memref<1x200x128xf32, #tpu.memory_space<hbm>>
    %dma_wait3A_31 = tpu.memref_squeeze %dma_wait3A_30 : memref<1x200x128xf32, #tpu.memory_space<hbm>> -> memref<200x128xf32, #tpu.memory_space<hbm>>
    tpu.wait_dma2 semaphore(%arg14 : memref<!tpu.dma_semaphore, #tpu.memory_space<semaphore_mem>>) src(%arg10 : memref<200x128xf32, #tpu.memory_space<vmem>>) dst(%dma_wait3A_31 : memref<200x128xf32, #tpu.memory_space<hbm>>)
    %dma_wait3A_32 = arith.constant 0 : i32
    %dma_wait3A_33 = arith.constant 0 : i32
    %dma_wait3A_34 = tpu.memref_slice %arg5[%mul3A_2, %dma_wait3A_32, %dma_wait3A_33] : memref<1024x200x128xf32, #tpu.memory_space<hbm>> -> memref<1x200x128xf32, #tpu.memory_space<hbm>>
    %dma_wait3A_35 = tpu.memref_squeeze %dma_wait3A_34 : memref<1x200x128xf32, #tpu.memory_space<hbm>> -> memref<200x128xf32, #tpu.memory_space<hbm>>
    %dma_wait3A_36 = arith.constant 0 : i32
    %dma_wait3A_37 = arith.constant 0 : i32
    %dma_wait3A_38 = tpu.memref_slice %arg5[%mul3A_2, %dma_wait3A_36, %dma_wait3A_37] : memref<1024x200x128xf32, #tpu.memory_space<hbm>> -> memref<1x200x128xf32, #tpu.memory_space<hbm>>
    %dma_wait3A_39 = tpu.memref_squeeze %dma_wait3A_38 : memref<1x200x128xf32, #tpu.memory_space<hbm>> -> memref<200x128xf32, #tpu.memory_space<hbm>>
    tpu.wait_dma2 semaphore(%arg15 : memref<!tpu.dma_semaphore, #tpu.memory_space<semaphore_mem>>) src(%arg11 : memref<200x128xf32, #tpu.memory_space<vmem>>) dst(%dma_wait3A_39 : memref<200x128xf32, #tpu.memory_space<hbm>>)
    return
  }
}

</mosaic_0001>

<sc_bundles>
// kernel: kernel.3.cloned.1.call-start
scs
__scs_entry_jumppad:
0x0: {  	(pc) =	sbr.rel $0x88, $3  }
0x1: {  	(tag) =	ssettag $0x0;
	lr =	simm.s32 $0x1  }
0x2: {  	[smem:$0x3F9E] =	sst lr;
	_ =	strace $0xD0000000  }
0x3: {  	_ = 	snop  }
0x4: {  	_ = 	snop  }
0x5: {  	_ = 	snop  }
0x6: {  	_ = 	snop  }
0x7: {  	_ = 	snop  }
__scs_overlays_trampoline_lowered:
0x8: {  	[smem:$0x3FAD] =	sst s0  }
0x9: {  	[smem:$0x3FAE] =	sst s1  }
0xa: {  	[smem:$0x3FAF] =	sst s2  }
0xb: {  	[smem:$0x3FB0] =	sst s3  }
0xc: {  	[smem:$0x3FB1] =	sst s4  }
0xd: {  	[smem:$0x3FB2] =	sst s5  }
0xe: {  	[smem:$0x3FB3] =	sst s6  }
0xf: {  	[smem:$0x3FB4] =	sst s7  }
0x10: {  	[smem:$0x3FB5] =	sst s8  }
0x11: {  	[smem:$0x3FB6] =	sst s9;
	s0 =	simm.s32 @!p0 $0x0  }
0x12: {  	s1 =	sld [smem:$0x3F9C];
	s0 =	simm.s32 @p0 $0x1  }
0x13: {  	[smem:$0x3FB7] =	sst s0;
	s0 =	simm.s32 @!p1 $0x0  }
0x14: {  	s2 =	sld [smem:$0x3F9B];
	s0 =	simm.s32 @p1 $0x1  }
0x15: {  	[smem:$0x3FB8] =	sst s0;
	s0 =	simm.s32 @!p2 $0x0  }
0x16: {  	s3 =	sld [smem:$0x3FDB];
	s0 =	simm.s32 @p2 $0x1  }
0x17: {  	s4 =	simm.s32 $0x1BF5;
	[smem:$0x3FBA] =	sst s0  }
0x18: {  	s0 =	sld [smem:$0x3F9D];
	_ =	swait.ge [sflag:s4], $0x0  }
0x19: {  	s7 =	sld [smem:$0x3F9E]  }
0x1a: {  	s8 =	sadd.s32 $0xFFFFE003, lr  }
0x1b: {  	s9 =	sadd.s32 $0xFFFFFEF7, lr;
	s5 =	simm.s32 $0xFFFFFFFF;
	p2 =	slt.u32 s8, $0xFFFFF086  }
0x1c: {  	p1 =	slt.u32 s9, $0xF7A;
	s5 =	simm.s32 @!p2 $0x0  }
0x1d: {  	s5 =	simm.s32 @p1 $0x1;
	p0 =	seq.s32 s7, s2  }
0x1e: {  	s7 =	smul.u32 @!p0 $0xF7A, s2;
	p2 =	seq.s32 @!p0 s5, $0x0  }
0x1f: {  	s9 =	smul.u32 $0xF7A, s1;
	s8 =	simm.s32 @!p0 $0x1BF5;
	p2 =	por !p2, p0  }
0x20: {  	[sflag:s8] =	ssyncset.s32 @!p0 $0xFFFFF086;
	s6 =	sadd.s32 @!p0 s3, s7;
	s7 =	simm.s32 @!p0 $0x108  }
0x21: {  	s3 =	sadd.s32 s3, s9;
	s6 =	sadd.s32 @!p0 $0x88, s6;
	s7 =	simm.s32 @p2 $0x1082  }
0x22: {  	[simem:s7], [sflag:s8] =	dma.local @!p0 [hbm:s6], $0xF7A  }
0x23: {  	s9 =	sor.u32 $0xD0000000, s2;
	s6 =	simm.s32 $0x108;
	_ =	swait.ge @!p0 [sflag:s8], $0x0  }
0x24: {  	s3 =	sadd.s32 $0x88, s3;
	s6 =	simm.s32 @!p1 $0x1082;
	[sflag:s4] =	ssyncset.s32 $0xFFFFF086  }
0x25: {  	[simem:s6], [sflag:s4] =	dma.local [hbm:s3], $0xF7A  }
0x26: {  	[smem:$0x3F9E] =	sst s1;
	(tag) =	ssettag s2;
	_ =	strace s9  }
0x27: {  	s1 =	sld [smem:$0x3FAE]  }
0x28: {  	s2 =	sld [smem:$0x3FAF]  }
0x29: {  	s4 =	sld [smem:$0x3FB1]  }
0x2a: {  	p0 =	seq.s32 s5, $0x0;
	s5 =	sld [smem:$0x3FB2]  }
0x2b: {  	s6 =	sld [smem:$0x3FB3]  }
0x2c: {  	s7 =	sld [smem:$0x3FB4]  }
0x2d: {  	s3 =	simm.s32 $0x108;
	s8 =	sld [smem:$0x3FB5]  }
0x2e: {  	s3 =	simm.s32 @!p0 $0x1082;
	s9 =	sld [smem:$0x3FB6]  }
0x2f: {  	lr =	sadd.s32 s0, s3;
	s0 =	sld [smem:$0x3FAD]  }
0x30: {  	s3 =	sld [smem:$0x3FB0]  }
0x31: {  	[smem:$0x3FB9] =	sst s10  }
0x32: {  	s10 =	sld [smem:$0x3FB7];
	_ =	sdelay $0x3  }
0x33: {  	p0 =	seq.s32 s10, $0x1;
	s10 =	sld [smem:$0x3FB9];
	_ =	sdelay $0x3  }
0x34: {  	[smem:$0x3FB9] =	sst s10  }
0x35: {  	s10 =	sld [smem:$0x3FB8];
	_ =	sdelay $0x3  }
0x36: {  	p1 =	seq.s32 s10, $0x1;
	s10 =	sld [smem:$0x3FB9];
	_ =	sdelay $0x3  }
0x37: {  	[smem:$0x3FB9] =	sst s10  }
0x38: {  	s10 =	sld [smem:$0x3FBA]  }
0x39: {  	_ = 	snop;
	(pc) =	sbr.ind lr, $3  }
0x3a: {  	_ = 	snop  }
0x3b: {  	_ = 	snop  }
0x3c: {  	p2 =	seq.s32 s10, $0x1;
	s10 =	sld [smem:$0x3FB9]  }
0x3d: {  	_ =	shalt  }
0x3e: {  	_ =	shalt  }
0x3f: {  	_ =	shalt  }
0x40: {  	_ =	shalt  }
0x41: {  	_ =	shalt  }
0x42: {  	_ =	shalt  }
0x43: {  	_ =	shalt  }
0x44: {  	_ =	shalt  }
0x45: {  	_ =	shalt  }
0x46: {  	_ =	shalt  }
0x47: {  	_ =	shalt  }
0x48: {  	_ =	shalt  }
0x49: {  	_ =	shalt  }
0x4a: {  	_ =	shalt  }
0x4b: {  	_ =	shalt  }
0x4c: {  	_ =	shalt  }
0x4d: {  	_ =	shalt  }
0x4e: {  	_ =	shalt  }
0x4f: {  	_ =	shalt  }
0x50: {  	_ =	shalt  }
0x51: {  	_ =	shalt  }
0x52: {  	_ =	shalt  }
0x53: {  	_ =	shalt  }
0x54: {  	_ =	shalt  }
0x55: {  	_ =	shalt  }
0x56: {  	_ =	shalt  }
0x57: {  	_ =	shalt  }
0x58: {  	_ =	shalt  }
0x59: {  	_ =	shalt  }
0x5a: {  	_ =	shalt  }
0x5b: {  	_ =	shalt  }
0x5c: {  	_ =	shalt  }
0x5d: {  	_ =	shalt  }
0x5e: {  	_ =	shalt  }
0x5f: {  	_ =	shalt  }
0x60: {  	_ =	shalt  }
0x61: {  	_ =	shalt  }
0x62: {  	_ =	shalt  }
0x63: {  	_ =	shalt  }
0x64: {  	_ =	shalt  }
0x65: {  	_ =	shalt  }
0x66: {  	_ =	shalt  }
0x67: {  	_ =	shalt  }
0x68: {  	_ =	shalt  }
0x69: {  	_ =	shalt  }
0x6a: {  	_ =	shalt  }
0x6b: {  	_ =	shalt  }
0x6c: {  	_ =	shalt  }
0x6d: {  	_ =	shalt  }
0x6e: {  	_ =	shalt  }
0x6f: {  	_ =	shalt  }
0x70: {  	_ =	shalt  }
0x71: {  	_ =	shalt  }
0x72: {  	_ =	shalt  }
0x73: {  	_ =	shalt  }
0x74: {  	_ =	shalt  }
0x75: {  	_ =	shalt  }
0x76: {  	_ =	shalt  }
0x77: {  	_ =	shalt  }
0x78: {  	_ =	shalt  }
0x79: {  	_ =	shalt  }
0x7a: {  	_ =	shalt  }
0x7b: {  	_ =	shalt  }
0x7c: {  	_ =	shalt  }
0x7d: {  	_ =	shalt  }
0x7e: {  	_ =	shalt  }
0x7f: {  	_ =	shalt  }
0x80: {  	_ =	shalt  }
0x81: {  	_ =	shalt  }
0x82: {  	_ =	shalt  }
0x83: {  	_ =	shalt  }
0x84: {  	_ =	shalt  }
0x85: {  	_ =	shalt  }
0x86: {  	_ =	shalt  }
0x87: {  	_ =	shalt  }
.Lfunc_end0:
.L_simem_size_0:
called_computation_lowered:
.L_overlay_start_0:
0x88: {  	s2 =	sld [smem:$0x3FD9]  }
0x89: {  	s3 =	sld [smem:$0x3FFE];
	_ =	sdelay $0x1  }
0x8a: {  	s1 =	srdreg.scid  }
0x8b: {  	s0 =	sand.u32 $0x1, s1  }
0x8c: {  	s17 =	sshll.u32 s0, $0xA;
	s2 =	sadd.s32 s3, s2  }
0x8d: {  	s2 =	sadd.s32 s2, s17  }
0x8e: {  	[smem:$0x3FC5] =	sst s2  }
0x8f: {  	_ = 	snop  }
0x90: {  	s2 =	sld [smem:$0x3FC8]  }
0x91: {  	s18 =	sld [smem:$0x3FC7]  }
0x92: {  	s4 =	sld [smem:$0x3FD0];
	(tm) =	ssettm $0x1  }
0x93: {  	s5 =	sld [smem:$0x3FFB];
	_ =	sdelay $0x3  }
0x94: {  	_ =	strace s5  }
0x95: {  	s5 =	sld [smem:$0x3FFC];
	_ =	sdelay $0x3  }
0x96: {  	_ =	strace s5  }
0x97: {  	s5 =	sld [smem:$0x3FFD];
	_ =	sdelay $0x3  }
0x98: {  	_ =	strace s5  }
0x99: {  	_ =	strace $0x8FFFFFFF  }
0x9a: {  	s19 =	sld [smem:$0x3FDB];
	_ =	sdelay $0x1  }
0x9b: {  	s6 =	simm.s32 $_scs_section_size  }
0x9c: {  	s7 =	simm.s32 $_size__tile_overlayer_lowered;
	s8 =	simm.s32 $_tile_overlayer_lowered  }
0x9d: {  	s22 =	simm.s32 $0x1BFF;
	s21 =	sshll.u32 s8, $0x1;
	s5 =	sadd.s32 s6, s19  }
0x9e: {  	s9 =	simm.s32 $0x0;
	s20 =	sshll.u32 s7, $0x1;
	s7 =	sadd.s32 s21, s5  }
0x9f: {  	[timem:s9], [sflag:s22] =	dma.local [hbm:s7], s20  }
0xa0: {  	_ =	swait.ge [sflag:s22], s20  }
0xa1: {  	s6 =	ssub.s32 $0x0, s20;
	[sflag:s22] =	ssyncset.done $0x0  }
0xa2: {  	[sflag:s22] =	ssyncadd.s32 s6;
	_ =	sdelay $0x1  }
0xa3: {  	s23 =	simm.s32 $0x1B8B  }
0xa4: {  	_ =	swait.ge [sflag:s23], $0x1  }
0xa5: {  	[sflag:s23] =	ssyncset.done $0x0  }
0xa6: {  	s25 =	simm.s32 $0x1B8E;
	s24 =	sld [smem:$0x3FFE];
	[sflag:s23] =	ssyncadd.s32 $0xFFFFFFFF  }
0xa7: {  	s26 =	simm.s32 $execute0_lowered;
	[smem:$0x3FD2] =	sst s25  }
0xa8: {  	s7 =	sshll.u32 s26, $0x1;
	_ =	strace $0x80000046;
	[dreg:$0x1] =	wrdreg $0xFFFFFFFF  }
0xa9: {  	s28 =	simm.s32 $_size_execute0_lowered;
	s5 =	sadd.s32 s5, s7;
	[dreg:$0x0] =	wrdreg $0x0  }
0xaa: {  	s7 =	sshll.u32 s28, $0x1;
	[dreg:$0x2] =	wrdreg s5  }
0xab: {  	[dreg:$0x3] =	wrdreg s7  }
0xac: {  	[dreg:$0x4] =	wrdreg $0xC0  }
0xad: {  	_ =	task [dreg:s9], $0x5FFFF  }
0xae: {  	[dreg:$0x1] =	wrdreg $0xFFFFFFFF  }
0xaf: {  	[dreg:$0x0] =	wrdreg $0x60  }
0xb0: {  	[dreg:$0x2] =	wrdreg s24  }
0xb1: {  	[dreg:$0x3] =	wrdreg s2  }
0xb2: {  	[dreg:$0x4] =	wrdreg s18  }
0xb3: {  	[dreg:$0x5] =	wrdreg s4  }
0xb4: {  	[dreg:$0x6] =	wrdreg $0x9  }
0xb5: {  	_ =	task.clear_ibuf [dreg:s9], $0x7FFFF;
	_ =	strace $0x90000046  }
0xb6: {  	s29 =	simm.s32 $0x9;
	_ =	strace $0x80000048  }
0xb7: {  	_ =	swait.ge [sflag:s29], $0x1  }
0xb8: {  	[sflag:s29] =	ssyncadd.s32 $0xFFFFFFFF  }
0xb9: {  	_ =	strace $0x90000048  }
0xba: {  	_ =	sfence  }
0xbb: {  	s30 =	sld [smem:$0x0];
	_ =	sdelay $0x2  }
0xbc: {  	s31 =	sshll.u32 s1, $0xD;
	s1 =	sshrl.u32 s1, $0x2  }
0xbd: {  	s3 =	sand.u32 $0x4000, s31;
	s1 =	sadd.s32 s1, s30  }
0xbe: {  	s0 =	sor.u32 s3, s0;
	s1 =	sshll.u32 s1, $0x11  }
0xbf: {  	s0 =	sor.u32 s1, s0  }
0xc0: {  	s0 =	sadd.s32 $0x8F2B, s0  }
0xc1: {  	[sflag:s0] =	ssyncadd.remote.s32 $0x1  }
0xc2: {  	_ =	sfence.sel $0xFFFF  }
0xc3: {  	[dreg:$0x0] =	wrdreg $0xFFFFFFFF;
	(pc) =	sbr.abs _section_cstart, $3  }
0xc4: {  	[dreg:$0x1] =	wrdreg $0xFFFFFFFF  }
0xc5: {  	_ =	task.clear_ibuf [dreg:s9], $0x2FFFF;
	_ =	strace $0x9FFFFFFF  }
0xc6: {  	(tm) =	ssettm $0x7FFFFFFF  }
0xc7: {  	_ =	shalt  }
tec
execute0_lowered:
.L_overlay_start_1:
0x0: {  	(tag) =	ssettag $0x1  }
0x1: {  	s6 =	rddreg [dreg:$0x0]  }
0x2: {  	s2 =	rddreg [dreg:$0x1]  }
0x3: {  	s3 =	rddreg [dreg:$0x2]  }
0x4: {  	s4 =	rddreg [dreg:$0x3]  }
0x5: {  	s5 =	srdreg.scid;
	s1 =	stileid.u32  }
0x6: {  	s0 =	rddreg [dreg:$0x4];
	s11 =	simm.s32 $0x64;
	s12 =	simm.s32 $0x8400  }
0x7: {  	s13 =	simm.s32 $0x80;
	s14 =	simm.s32 $0xB800;
	s15 =	simm.s32 $0x400  }
0x8: {  	s16 =	simm.s32 $0x2000;
	s17 =	simm.s32 $0x1;
	s18 =	simm.s32 $0x2  }
0x9: {  	s19 =	simm.s32 $0xEC00;
	s20 =	simm.s32 $0x15000;
	s21 =	simm.s32 $0x3  }
0xa: {  	s22 =	simm.s32 $0x4;
	s7 =	sand.u32 $0x1, s5;
	s8 =	sshll.u32 s1, $0x1  }
0xb: {  	s23 =	simm.s32 $0x0;
	s5 =	simm.s32 $0x0;
	s8 =	sor.u32 s7, s8  }
0xc: {  	s7 =	ssub.s32 $0x2, s7;
	[smem:$0x7FF] =	sst s5;
	s9 =	sshll.u32 s8, $0xA  }
0xd: {  	s10 =	sshrl.u32 s7, $0x1;
	_ =	strace $0x80000047;
	s9 =	sadd.s32 s9, s6  }
0xe: {  	s10 =	ssub.s32 s7, s10;
	s6 =	sshll.u32 s8, $0x5;
	s7 =	sadd.s32 $0x400, s9  }
0xf: {  	s8 =	sadd.s32 $0x480, s9;
	s9 =	smax.u32 s10, $0x1;
	s10 =	simm.s32 $0x5  }
.LBB2_1:
0x10: {  	[tilespmem:s5], [sflag:$0x5] =	stream.linear.gather [hbm4b:s7+s5], $0x400, $0x38;
	[tilespmem:$0x1B400] =	vst v63  }
0x11: {  	_ =	swait.ge [sflag:s10], $0x400  }
0x12: {  	[sflag:s10] =	ssyncset.done $0x0  }
0x13: {  	[sflag:s10] =	ssyncadd.s32 $0xFFFFFC00  }
0x14: {  	[tilespmem:s12], [sflag:$0x1] =	stream.indirect.gather [hbm4b:s2+s11], $0x80, s5, s11, $0xb8;
	[tilespmem:$0x1B400] =	vst v63  }
0x15: {  	_ = 	snop  }
0x16: {  	[tilespmem:s14], [sflag:$0x2] =	stream.indirect.gather [hbm4b:s2+s11], $0x80, s13, s11, $0xb8;
	[tilespmem:$0x1B400] =	vst v63  }
0x17: {  	_ = 	snop  }
0x18: {  	[tilespmem:s15], [sflag:$0x5] =	stream.linear.gather [hbm4b:s8+s5], $0x1C00, $0x38;
	[tilespmem:$0x1B400] =	vst v63  }
0x19: {  	_ =	swait.ge [sflag:s10], $0x1C00  }
0x1a: {  	[sflag:s10] =	ssyncset.done $0x0  }
0x1b: {  	[sflag:s10] =	ssyncadd.s32 $0xFFFFE400  }
0x1c: {  	[tilespmem:s16], [sflag:$0x5] =	stream.linear.gather [hbm4b:s3+s5], $0x6400, $0x38;
	[tilespmem:$0x1B400] =	vst v63  }
0x1d: {  	_ =	swait.ge [sflag:s10], $0x6400  }
0x1e: {  	[sflag:s10] =	ssyncset.done $0x0  }
0x1f: {  	s24 =	simm.s32 $0x0;
	[sflag:s10] =	ssyncadd.s32 $0xFFFF9C00  }
.LBB2_2:
0x20: {  	_ =	swait.ge [sflag:s17], $0x3200  }
0x21: {  	p0 =	seq.s32 s24, $0x0;
	[sflag:s17] =	ssyncset.done $0x0  }
0x22: {  	s25 =	simm.s32 @!p0 $0x3;
	[sflag:s17] =	ssyncadd.s32 $0xFFFFCE00  }
0x23: {  	_ =	swait.ge @!p0 [sflag:s25], $0x6400  }
0x24: {  	[sflag:s25] =	ssyncset.done @!p0 $0x0  }
0x25: {  	s26 =	simm.s32 $0x0;
	[sflag:s25] =	ssyncadd.s32 @!p0 $0xFFFF9C00  }
0x26: {  	v0 =	vld [tilespmem:s26+$0x8470]  }
0x27: {  	v1 =	vld [tilespmem:s26+$0x2070]  }
0x28: {  	v2 =	vld [tilespmem:s26+$0x8400]  }
0x29: {  	v3 =	vld [tilespmem:s26+$0x2000]  }
0x2a: {  	v4 =	vld [tilespmem:s26+$0x8410]  }
0x2b: {  	v5 =	vld [tilespmem:s26+$0x2010]  }
0x2c: {  	v6 =	vld [tilespmem:s26+$0x8420]  }
0x2d: {  	v7 =	vld [tilespmem:s26+$0x8430]  }
0x2e: {  	v0 =	vadd.f32 v1, v0;
	v1 =	vld [tilespmem:s26+$0x2020]  }
0x2f: {  	v8 =	vld [tilespmem:s26+$0x2030]  }
0x30: {  	v9 =	vld [tilespmem:s26+$0x2040];
	v2 =	vadd.f32 v3, v2  }
0x31: {  	[tilespmem:s26+$0xEC70] =	vst v0;
	v0 =	vadd.f32 v5, v4;
	v5 =	vld [tilespmem:s26+$0x8440]  }
0x32: {  	v3 =	vld [tilespmem:s26+$0x2050];
	[tilespmem:s26+$0xEC00] =	vst v2  }
0x33: {  	v2 =	vld [tilespmem:s26+$0x8450];
	[tilespmem:s26+$0xEC10] =	vst v0;
	v0 =	vadd.f32 v1, v6  }
0x34: {  	v4 =	vld [tilespmem:s26+$0x2060];
	v6 =	vadd.f32 v8, v7  }
0x35: {  	s28 =	simm.s32 $0x80;
	[tilespmem:s26+$0xEC20] =	vst v0;
	v0 =	vld [tilespmem:s26+$0x8460]  }
0x36: {  	s29 =	simm.s32 $0x400;
	s25 =	sshll.u32 s24, $0x1;
	v5 =	vadd.f32 v9, v5;
	v1 =	vld [tilespmem:s28+$0x8470];
	[tilespmem:s26+$0xEC30] =	vst v6  }
.LBB2_3:
0x37: {  	p1 =	sne.s32 s29, $0xC600;
	v6 =	vld [tilespmem:s28+$0x2070]  }
0x38: {  	v7 =	vld [tilespmem:s28+$0x8400];
	[tilespmem:s26+$0xEC40] =	vst v5;
	v2 =	vadd.f32 v3, v2  }
0x39: {  	v3 =	vld [tilespmem:s28+$0x2000]  }
0x3a: {  	v5 =	vld [tilespmem:s28+$0x8410];
	[tilespmem:s26+$0xEC50] =	vst v2;
	v0 =	vadd.f32 v4, v0  }
0x3b: {  	v2 =	vld [tilespmem:s28+$0x2010]  }
0x3c: {  	v4 =	vld [tilespmem:s28+$0x8420];
	v1 =	vadd.f32 v6, v1;
	[tilespmem:s26+$0xEC60] =	vst v0;
	s26 =	smov.u32 s28  }
0x3d: {  	v0 =	vld [tilespmem:s26+$0x2020]  }
0x3e: {  	v3 =	vadd.f32 v3, v7;
	v6 =	vld [tilespmem:s26+$0x8430];
	[tilespmem:s26+$0xEC70] =	vst v1  }
0x3f: {  	v1 =	vld [tilespmem:s26+$0x2030]  }
0x40: {  	[tilespmem:s26+$0xEC00] =	vst v3;
	v2 =	vadd.f32 v2, v5;
	v5 =	vld [tilespmem:s26+$0x8440]  }
0x41: {  	v7 =	vld [tilespmem:s26+$0x2040]  }
.Ltmp0:
0x42: {  	[tilespmem:s26+$0xEC10] =	vst v2;
	v0 =	vadd.f32 v0, v4;
	v2 =	vld [tilespmem:s26+$0x8450];
	(pc) =	sbr.rel @p1 .LBB2_3-.Ltmp0, $4  }
0x43: {  	v3 =	vld [tilespmem:s26+$0x2050]  }
0x44: {  	[tilespmem:s26+$0xEC20] =	vst v0;
	v6 =	vadd.f32 v1, v6;
	v0 =	vld [tilespmem:s26+$0x8460]  }
0x45: {  	s28 =	sshra.s32 s29, $0x2;
	v4 =	vld [tilespmem:s26+$0x2060]  }
0x46: {  	s29 =	sadd.s32 $0x200, s29;
	v1 =	vld [tilespmem:s28+$0x8470];
	[tilespmem:s26+$0xEC30] =	vst v6;
	v5 =	vadd.f32 v7, v5  }
0x47: {  	v6 =	vld [tilespmem:s28+$0x2070]  }
0x48: {  	v7 =	vld [tilespmem:s28+$0x8400];
	[tilespmem:s26+$0xEC40] =	vst v5;
	v2 =	vadd.f32 v3, v2  }
0x49: {  	v3 =	vld [tilespmem:s28+$0x2000]  }
0x4a: {  	v5 =	vld [tilespmem:s28+$0x8410];
	[tilespmem:s26+$0xEC50] =	vst v2;
	v0 =	vadd.f32 v4, v0  }
0x4b: {  	v2 =	vld [tilespmem:s28+$0x2010]  }
0x4c: {  	v4 =	vld [tilespmem:s28+$0x8420];
	[tilespmem:s26+$0xEC60] =	vst v0  }
0x4d: {  	v0 =	vadd.f32 v6, v1;
	v1 =	vld [tilespmem:s28+$0x2020]  }
0x4e: {  	v6 =	vld [tilespmem:s28+$0x8430]  }
0x4f: {  	v3 =	vadd.f32 v3, v7;
	[tilespmem:s28+$0xEC70] =	vst v0;
	v0 =	vld [tilespmem:s28+$0x2030]  }
0x50: {  	v7 =	vld [tilespmem:s28+$0x2060]  }
0x51: {  	[tilespmem:s28+$0xEC00] =	vst v3;
	v2 =	vadd.f32 v2, v5;
	v3 =	vld [tilespmem:s28+$0x8440]  }
0x52: {  	v5 =	vld [tilespmem:s28+$0x2040]  }
0x53: {  	[tilespmem:s28+$0xEC10] =	vst v2;
	v1 =	vadd.f32 v1, v4;
	v2 =	vld [tilespmem:s28+$0x8450]  }
0x54: {  	v4 =	vld [tilespmem:s28+$0x2050]  }
0x55: {  	[tilespmem:s28+$0xEC20] =	vst v1;
	v1 =	vld [tilespmem:s28+$0x8460];
	_ =	sdelay $0x1  }
0x56: {  	v0 =	vadd.f32 v0, v6  }
0x57: {  	v3 =	vadd.f32 v5, v3  }
0x58: {  	[tilespmem:s28+$0xEC30] =	vst v0;
	v0 =	vadd.f32 v4, v2  }
0x59: {  	s31 =	sshll.u32 s24, $0x9;
	[tilespmem:s28+$0xEC40] =	vst v3;
	v1 =	vadd.f32 v7, v1  }
0x5a: {  	s26 =	sand.u32 $0x3FFFFE00, s31;
	[tilespmem:s28+$0xEC50] =	vst v0  }
0x5b: {  	[tilespmem:s28+$0xEC60] =	vst v1;
	s28 =	sor.u32 $0x100, s26  }
0x5c: {  	[tilespmem:s12], [sflag:$0x1] =	stream.indirect.gather [hbm4b:s2+s11], $0x80, s28, s11, $0xb8;
	[tilespmem:$0x1B400] =	vst v63  }
0x5d: {  	_ =	swait.ge [sflag:s18], $0x3200  }
0x5e: {  	[sflag:s18] =	ssyncset.done $0x0  }
0x5f: {  	s28 =	simm.s32 $0x0;
	[sflag:s18] =	ssyncadd.s32 $0xFFFFCE00  }
0x60: {  	v0 =	vld [tilespmem:s28+$0xB870]  }
0x61: {  	v1 =	vld [tilespmem:s28+$0x5270]  }
0x62: {  	v2 =	vld [tilespmem:s28+$0xB800]  }
0x63: {  	v3 =	vld [tilespmem:s28+$0x5200]  }
0x64: {  	v4 =	vld [tilespmem:s28+$0xB810]  }
0x65: {  	v5 =	vld [tilespmem:s28+$0x5210]  }
0x66: {  	v6 =	vld [tilespmem:s28+$0xB820]  }
0x67: {  	v7 =	vld [tilespmem:s28+$0xB830]  }
0x68: {  	v0 =	vadd.f32 v1, v0;
	v1 =	vld [tilespmem:s28+$0x5220]  }
0x69: {  	v8 =	vld [tilespmem:s28+$0x5230]  }
0x6a: {  	v9 =	vld [tilespmem:s28+$0x5240];
	v2 =	vadd.f32 v3, v2  }
0x6b: {  	[tilespmem:s28+$0x11E70] =	vst v0;
	v0 =	vadd.f32 v5, v4;
	v5 =	vld [tilespmem:s28+$0xB840]  }
0x6c: {  	v3 =	vld [tilespmem:s28+$0x5250];
	[tilespmem:s28+$0x11E00] =	vst v2  }
0x6d: {  	v2 =	vld [tilespmem:s28+$0xB850];
	[tilespmem:s28+$0x11E10] =	vst v0;
	v0 =	vadd.f32 v1, v6  }
0x6e: {  	v4 =	vld [tilespmem:s28+$0x5260];
	v6 =	vadd.f32 v8, v7  }
0x6f: {  	s29 =	simm.s32 $0x80;
	[tilespmem:s28+$0x11E20] =	vst v0;
	v0 =	vld [tilespmem:s28+$0xB860]  }
0x70: {  	s30 =	simm.s32 $0x400;
	v5 =	vadd.f32 v9, v5;
	v1 =	vld [tilespmem:s29+$0xB870];
	[tilespmem:s28+$0x11E30] =	vst v6  }
.LBB2_5:
0x71: {  	p1 =	sne.s32 s30, $0xC600;
	v6 =	vld [tilespmem:s29+$0x5270]  }
0x72: {  	v7 =	vld [tilespmem:s29+$0xB800];
	[tilespmem:s28+$0x11E40] =	vst v5;
	v2 =	vadd.f32 v3, v2  }
0x73: {  	v3 =	vld [tilespmem:s29+$0x5200]  }
0x74: {  	v5 =	vld [tilespmem:s29+$0xB810];
	[tilespmem:s28+$0x11E50] =	vst v2;
	v0 =	vadd.f32 v4, v0  }
0x75: {  	v2 =	vld [tilespmem:s29+$0x5210]  }
0x76: {  	v4 =	vld [tilespmem:s29+$0xB820];
	v1 =	vadd.f32 v6, v1;
	[tilespmem:s28+$0x11E60] =	vst v0;
	s28 =	smov.u32 s29  }
0x77: {  	v0 =	vld [tilespmem:s28+$0x5220]  }
0x78: {  	v3 =	vadd.f32 v3, v7;
	v6 =	vld [tilespmem:s28+$0xB830];
	[tilespmem:s28+$0x11E70] =	vst v1  }
0x79: {  	v1 =	vld [tilespmem:s28+$0x5230]  }
0x7a: {  	[tilespmem:s28+$0x11E00] =	vst v3;
	v2 =	vadd.f32 v2, v5;
	v5 =	vld [tilespmem:s28+$0xB840]  }
0x7b: {  	v7 =	vld [tilespmem:s28+$0x5240]  }
.Ltmp1:
0x7c: {  	[tilespmem:s28+$0x11E10] =	vst v2;
	v0 =	vadd.f32 v0, v4;
	v2 =	vld [tilespmem:s28+$0xB850];
	(pc) =	sbr.rel @p1 .LBB2_5-.Ltmp1, $4  }
0x7d: {  	v3 =	vld [tilespmem:s28+$0x5250]  }
0x7e: {  	[tilespmem:s28+$0x11E20] =	vst v0;
	v6 =	vadd.f32 v1, v6;
	v0 =	vld [tilespmem:s28+$0xB860]  }
0x7f: {  	s29 =	sshra.s32 s30, $0x2;
	v4 =	vld [tilespmem:s28+$0x5260]  }
0x80: {  	s30 =	sadd.s32 $0x200, s30;
	v1 =	vld [tilespmem:s29+$0xB870];
	[tilespmem:s28+$0x11E30] =	vst v6;
	v5 =	vadd.f32 v7, v5  }
0x81: {  	v6 =	vld [tilespmem:s29+$0x5270]  }
0x82: {  	v7 =	vld [tilespmem:s29+$0xB800];
	[tilespmem:s28+$0x11E40] =	vst v5;
	v2 =	vadd.f32 v3, v2  }
0x83: {  	v3 =	vld [tilespmem:s29+$0x5200]  }
0x84: {  	v5 =	vld [tilespmem:s29+$0xB810];
	[tilespmem:s28+$0x11E50] =	vst v2;
	v0 =	vadd.f32 v4, v0  }
0x85: {  	v2 =	vld [tilespmem:s29+$0x5210]  }
0x86: {  	v4 =	vld [tilespmem:s29+$0xB820];
	[tilespmem:s28+$0x11E60] =	vst v0  }
0x87: {  	v0 =	vadd.f32 v6, v1;
	v1 =	vld [tilespmem:s29+$0x5220]  }
0x88: {  	v6 =	vld [tilespmem:s29+$0xB830]  }
0x89: {  	v3 =	vadd.f32 v3, v7;
	[tilespmem:s29+$0x11E70] =	vst v0;
	v0 =	vld [tilespmem:s29+$0x5230]  }
0x8a: {  	v7 =	vld [tilespmem:s29+$0x5260]  }
0x8b: {  	[tilespmem:s29+$0x11E00] =	vst v3;
	v2 =	vadd.f32 v2, v5;
	v3 =	vld [tilespmem:s29+$0xB840]  }
0x8c: {  	v5 =	vld [tilespmem:s29+$0x5240]  }
0x8d: {  	[tilespmem:s29+$0x11E10] =	vst v2;
	v1 =	vadd.f32 v1, v4;
	v2 =	vld [tilespmem:s29+$0xB850]  }
0x8e: {  	v4 =	vld [tilespmem:s29+$0x5250]  }
0x8f: {  	[tilespmem:s29+$0x11E20] =	vst v1;
	v1 =	vld [tilespmem:s29+$0xB860];
	_ =	sdelay $0x1  }
0x90: {  	v0 =	vadd.f32 v0, v6  }
0x91: {  	v3 =	vadd.f32 v5, v3  }
0x92: {  	[tilespmem:s29+$0x11E30] =	vst v0;
	v0 =	vadd.f32 v4, v2  }
0x93: {  	[tilespmem:s29+$0x11E40] =	vst v3;
	v1 =	vadd.f32 v7, v1  }
0x94: {  	s28 =	sadd.s32 s6, s25;
	[tilespmem:s29+$0x11E50] =	vst v0  }
0x95: {  	s26 =	sadd.s32 $0x180, s26;
	s28 =	smul.u32 $0xC80, s28;
	[tilespmem:s29+$0x11E60] =	vst v1  }
0x96: {  	[tilespmem:s14], [sflag:$0x2] =	stream.indirect.gather [hbm4b:s2+s11], $0x80, s26, s11, $0xb8;
	[tilespmem:$0x1B400] =	vst v63  }
0x97: {  	s31 =	sadd.s32 s4, s28  }
0x98: {  	[hbm4b:s31+s5] =	stream.linear.scatter [tilespmem:s19], [sflag:$0x3], $0x6400, $0x38;
	[tilespmem:$0x1B400] =	vst v63  }
0x99: {  	_ =	swait.ge [sflag:s17], $0x3200  }
0x9a: {  	[sflag:s17] =	ssyncset.done $0x0  }
0x9b: {  	s26 =	simm.s32 @!p0 $0x4;
	[sflag:s17] =	ssyncadd.s32 $0xFFFFCE00  }
0x9c: {  	_ =	swait.ge @!p0 [sflag:s26], $0x6400  }
0x9d: {  	[sflag:s26] =	ssyncset.done @!p0 $0x0  }
0x9e: {  	[sflag:s26] =	ssyncadd.s32 @!p0 $0xFFFF9C00;
	s26 =	simm.s32 $0x0  }
0x9f: {  	v0 =	vld [tilespmem:s26+$0x8470]  }
0xa0: {  	v1 =	vld [tilespmem:s26+$0x2070]  }
0xa1: {  	v2 =	vld [tilespmem:s26+$0x8400]  }
0xa2: {  	v3 =	vld [tilespmem:s26+$0x2000]  }
0xa3: {  	v4 =	vld [tilespmem:s26+$0x8410]  }
0xa4: {  	v5 =	vld [tilespmem:s26+$0x2010]  }
0xa5: {  	v6 =	vld [tilespmem:s26+$0x8420]  }
0xa6: {  	v7 =	vld [tilespmem:s26+$0x8430]  }
0xa7: {  	v0 =	vadd.f32 v1, v0;
	v1 =	vld [tilespmem:s26+$0x2020]  }
0xa8: {  	v8 =	vld [tilespmem:s26+$0x2030]  }
0xa9: {  	v9 =	vld [tilespmem:s26+$0x2040];
	v2 =	vadd.f32 v3, v2  }
0xaa: {  	[tilespmem:s26+$0x15070] =	vst v0;
	v0 =	vadd.f32 v5, v4;
	v5 =	vld [tilespmem:s26+$0x8440]  }
0xab: {  	v3 =	vld [tilespmem:s26+$0x2050];
	[tilespmem:s26+$0x15000] =	vst v2  }
0xac: {  	v2 =	vld [tilespmem:s26+$0x8450];
	[tilespmem:s26+$0x15010] =	vst v0;
	v0 =	vadd.f32 v1, v6  }
0xad: {  	v4 =	vld [tilespmem:s26+$0x2060];
	v6 =	vadd.f32 v8, v7  }
0xae: {  	s28 =	simm.s32 $0x80;
	[tilespmem:s26+$0x15020] =	vst v0;
	v0 =	vld [tilespmem:s26+$0x8460]  }
0xaf: {  	s25 =	sor.u32 $0x1, s25;
	s29 =	simm.s32 $0x400;
	v5 =	vadd.f32 v9, v5;
	v1 =	vld [tilespmem:s28+$0x8470];
	[tilespmem:s26+$0x15030] =	vst v6  }
.LBB2_7:
0xb0: {  	p0 =	sne.s32 s29, $0xC600;
	v6 =	vld [tilespmem:s28+$0x2070]  }
0xb1: {  	v7 =	vld [tilespmem:s28+$0x8400];
	[tilespmem:s26+$0x15040] =	vst v5;
	v2 =	vadd.f32 v3, v2  }
0xb2: {  	v3 =	vld [tilespmem:s28+$0x2000]  }
0xb3: {  	v5 =	vld [tilespmem:s28+$0x8410];
	[tilespmem:s26+$0x15050] =	vst v2;
	v0 =	vadd.f32 v4, v0  }
0xb4: {  	v2 =	vld [tilespmem:s28+$0x2010]  }
0xb5: {  	v4 =	vld [tilespmem:s28+$0x8420];
	v1 =	vadd.f32 v6, v1;
	[tilespmem:s26+$0x15060] =	vst v0;
	s26 =	smov.u32 s28  }
0xb6: {  	v0 =	vld [tilespmem:s26+$0x2020]  }
0xb7: {  	v3 =	vadd.f32 v3, v7;
	v6 =	vld [tilespmem:s26+$0x8430];
	[tilespmem:s26+$0x15070] =	vst v1  }
0xb8: {  	v1 =	vld [tilespmem:s26+$0x2030]  }
0xb9: {  	[tilespmem:s26+$0x15000] =	vst v3;
	v2 =	vadd.f32 v2, v5;
	v5 =	vld [tilespmem:s26+$0x8440]  }
0xba: {  	v7 =	vld [tilespmem:s26+$0x2040]  }
.Ltmp2:
0xbb: {  	[tilespmem:s26+$0x15010] =	vst v2;
	v0 =	vadd.f32 v0, v4;
	v2 =	vld [tilespmem:s26+$0x8450];
	(pc) =	sbr.rel @p0 .LBB2_7-.Ltmp2, $4  }
0xbc: {  	v3 =	vld [tilespmem:s26+$0x2050]  }
0xbd: {  	[tilespmem:s26+$0x15020] =	vst v0;
	v6 =	vadd.f32 v1, v6;
	v0 =	vld [tilespmem:s26+$0x8460]  }
0xbe: {  	s28 =	sshra.s32 s29, $0x2;
	v4 =	vld [tilespmem:s26+$0x2060]  }
0xbf: {  	s29 =	sadd.s32 $0x200, s29;
	v1 =	vld [tilespmem:s28+$0x8470];
	[tilespmem:s26+$0x15030] =	vst v6;
	v5 =	vadd.f32 v7, v5  }
0xc0: {  	v6 =	vld [tilespmem:s28+$0x2070]  }
0xc1: {  	v7 =	vld [tilespmem:s28+$0x8400];
	[tilespmem:s26+$0x15040] =	vst v5;
	v2 =	vadd.f32 v3, v2  }
0xc2: {  	v3 =	vld [tilespmem:s28+$0x2000]  }
0xc3: {  	v5 =	vld [tilespmem:s28+$0x8410];
	[tilespmem:s26+$0x15050] =	vst v2;
	v0 =	vadd.f32 v4, v0  }
0xc4: {  	v2 =	vld [tilespmem:s28+$0x2010]  }
0xc5: {  	v4 =	vld [tilespmem:s28+$0x8420];
	[tilespmem:s26+$0x15060] =	vst v0  }
0xc6: {  	v0 =	vadd.f32 v6, v1;
	v1 =	vld [tilespmem:s28+$0x2020]  }
0xc7: {  	v6 =	vld [tilespmem:s28+$0x8430]  }
0xc8: {  	v3 =	vadd.f32 v3, v7;
	[tilespmem:s28+$0x15070] =	vst v0;
	v0 =	vld [tilespmem:s28+$0x2030]  }
0xc9: {  	v7 =	vld [tilespmem:s28+$0x2060]  }
0xca: {  	[tilespmem:s28+$0x15000] =	vst v3;
	v2 =	vadd.f32 v2, v5;
	v3 =	vld [tilespmem:s28+$0x8440]  }
0xcb: {  	v5 =	vld [tilespmem:s28+$0x2040]  }
0xcc: {  	[tilespmem:s28+$0x15010] =	vst v2;
	v1 =	vadd.f32 v1, v4;
	v2 =	vld [tilespmem:s28+$0x8450]  }
0xcd: {  	v4 =	vld [tilespmem:s28+$0x2050]  }
0xce: {  	[tilespmem:s28+$0x15020] =	vst v1;
	v1 =	vld [tilespmem:s28+$0x8460];
	_ =	sdelay $0x1  }
0xcf: {  	v0 =	vadd.f32 v0, v6  }
0xd0: {  	v3 =	vadd.f32 v5, v3  }
0xd1: {  	p0 =	seq.s32 s24, $0xF;
	[tilespmem:s28+$0x15030] =	vst v0;
	v0 =	vadd.f32 v4, v2  }
0xd2: {  	s26 =	sshll.u32 @!p0 s25, $0x8;
	[tilespmem:s28+$0x15040] =	vst v3;
	v1 =	vadd.f32 v7, v1  }
0xd3: {  	s26 =	sand.u32 @!p0 $0x3FFFFF00, s26;
	[tilespmem:s28+$0x15050] =	vst v0  }
0xd4: {  	s29 =	simm.s32 @!p0 $0x64;
	s30 =	simm.s32 @!p0 $0x8400;
	[tilespmem:s28+$0x15060] =	vst v1;
	s28 =	sadd.s32 @!p0 $0x100, s26  }
0xd5: {  	[tilespmem:s30], [sflag:$0x1] =	stream.indirect.gather @!p0 [hbm4b:s2+s29], $0x80, s28, s29, $0xb8;
	[tilespmem:$0x1B400] =	vst v63  }
0xd6: {  	_ =	swait.ge [sflag:s18], $0x3200  }
0xd7: {  	[sflag:s18] =	ssyncset.done $0x0  }
0xd8: {  	s28 =	simm.s32 $0x0;
	[sflag:s18] =	ssyncadd.s32 $0xFFFFCE00  }
0xd9: {  	v0 =	vld [tilespmem:s28+$0xB870]  }
0xda: {  	v1 =	vld [tilespmem:s28+$0x5270]  }
0xdb: {  	v2 =	vld [tilespmem:s28+$0xB800]  }
0xdc: {  	v3 =	vld [tilespmem:s28+$0x5200]  }
0xdd: {  	v4 =	vld [tilespmem:s28+$0xB810]  }
0xde: {  	v5 =	vld [tilespmem:s28+$0x5210]  }
0xdf: {  	v6 =	vld [tilespmem:s28+$0xB820]  }
0xe0: {  	v7 =	vld [tilespmem:s28+$0xB830]  }
0xe1: {  	v0 =	vadd.f32 v1, v0;
	v1 =	vld [tilespmem:s28+$0x5220]  }
0xe2: {  	v8 =	vld [tilespmem:s28+$0x5230]  }
0xe3: {  	v9 =	vld [tilespmem:s28+$0x5240];
	v2 =	vadd.f32 v3, v2  }
0xe4: {  	[tilespmem:s28+$0x18270] =	vst v0;
	v0 =	vadd.f32 v5, v4;
	v5 =	vld [tilespmem:s28+$0xB840]  }
0xe5: {  	v3 =	vld [tilespmem:s28+$0x5250];
	[tilespmem:s28+$0x18200] =	vst v2  }
0xe6: {  	v2 =	vld [tilespmem:s28+$0xB850];
	[tilespmem:s28+$0x18210] =	vst v0;
	v0 =	vadd.f32 v1, v6  }
0xe7: {  	v4 =	vld [tilespmem:s28+$0x5260];
	v6 =	vadd.f32 v8, v7  }
0xe8: {  	s29 =	simm.s32 $0x80;
	[tilespmem:s28+$0x18220] =	vst v0;
	v0 =	vld [tilespmem:s28+$0xB860]  }
0xe9: {  	s30 =	simm.s32 $0x400;
	v5 =	vadd.f32 v9, v5;
	v1 =	vld [tilespmem:s29+$0xB870];
	[tilespmem:s28+$0x18230] =	vst v6  }
.LBB2_9:
0xea: {  	p1 =	sne.s32 s30, $0xC600;
	v6 =	vld [tilespmem:s29+$0x5270]  }
0xeb: {  	v7 =	vld [tilespmem:s29+$0xB800];
	[tilespmem:s28+$0x18240] =	vst v5;
	v2 =	vadd.f32 v3, v2  }
0xec: {  	v3 =	vld [tilespmem:s29+$0x5200]  }
0xed: {  	v5 =	vld [tilespmem:s29+$0xB810];
	[tilespmem:s28+$0x18250] =	vst v2;
	v0 =	vadd.f32 v4, v0  }
0xee: {  	v2 =	vld [tilespmem:s29+$0x5210]  }
0xef: {  	v4 =	vld [tilespmem:s29+$0xB820];
	v1 =	vadd.f32 v6, v1;
	[tilespmem:s28+$0x18260] =	vst v0;
	s28 =	smov.u32 s29  }
0xf0: {  	v0 =	vld [tilespmem:s28+$0x5220]  }
0xf1: {  	v3 =	vadd.f32 v3, v7;
	v6 =	vld [tilespmem:s28+$0xB830];
	[tilespmem:s28+$0x18270] =	vst v1  }
0xf2: {  	v1 =	vld [tilespmem:s28+$0x5230]  }
0xf3: {  	[tilespmem:s28+$0x18200] =	vst v3;
	v2 =	vadd.f32 v2, v5;
	v5 =	vld [tilespmem:s28+$0xB840]  }
0xf4: {  	v7 =	vld [tilespmem:s28+$0x5240]  }
.Ltmp3:
0xf5: {  	[tilespmem:s28+$0x18210] =	vst v2;
	v0 =	vadd.f32 v0, v4;
	v2 =	vld [tilespmem:s28+$0xB850];
	(pc) =	sbr.rel @p1 .LBB2_9-.Ltmp3, $4  }
0xf6: {  	v3 =	vld [tilespmem:s28+$0x5250]  }
0xf7: {  	[tilespmem:s28+$0x18220] =	vst v0;
	v6 =	vadd.f32 v1, v6;
	v0 =	vld [tilespmem:s28+$0xB860]  }
0xf8: {  	s29 =	sshra.s32 s30, $0x2;
	v4 =	vld [tilespmem:s28+$0x5260]  }
0xf9: {  	s30 =	sadd.s32 $0x200, s30;
	v1 =	vld [tilespmem:s29+$0xB870];
	[tilespmem:s28+$0x18230] =	vst v6;
	v5 =	vadd.f32 v7, v5  }
0xfa: {  	v6 =	vld [tilespmem:s29+$0x5270]  }
0xfb: {  	v7 =	vld [tilespmem:s29+$0xB800];
	[tilespmem:s28+$0x18240] =	vst v5;
	v2 =	vadd.f32 v3, v2  }
0xfc: {  	v51 =	vld [tilespmem:s29+$0x5200]  }
0xfd: {  	v5 =	vld [tilespmem:s29+$0xB810];
	[tilespmem:s28+$0x18250] =	vst v2;
	v0 =	vadd.f32 v4, v0  }
0xfe: {  	v2 =	vld [tilespmem:s29+$0x5210]  }
0xff: {  	v52 =	vld [tilespmem:s29+$0xB820];
	[tilespmem:s28+$0x18260] =	vst v0  }
0x100: {  	v54 =	vld [tilespmem:s29+$0x5220]  }
0x101: {  	v55 =	vld [tilespmem:s29+$0xB830]  }
0x102: {  	v56 =	vld [tilespmem:s29+$0x5230]  }
0x103: {  	v57 =	vld [tilespmem:s29+$0xB840]  }
0x104: {  	v58 =	vld [tilespmem:s29+$0x5240]  }
0x105: {  	v59 =	vld [tilespmem:s29+$0xB850]  }
0x106: {  	v53 =	vadd.f32 v6, v1;
	v60 =	vld [tilespmem:s29+$0x5250]  }
0x107: {  	v61 =	vld [tilespmem:s29+$0xB860];
	v3 =	vadd.f32 v51, v7  }
0x108: {  	v62 =	vld [tilespmem:s29+$0x5260];
	[tilespmem:s29+$0x18270] =	vst v53;
	v2 =	vadd.f32 v2, v5  }
0x109: {  	[tilespmem:s29+$0x18200] =	vst v3;
	v1 =	vadd.f32 v54, v52  }
0x10a: {  	[tilespmem:s29+$0x18210] =	vst v2;
	v0 =	vadd.f32 v56, v55  }
0x10b: {  	v3 =	vadd.f32 v58, v57;
	[tilespmem:s29+$0x18220] =	vst v1  }
0x10c: {  	v63 =	vadd.f32 v60, v59;
	[tilespmem:s29+$0x18230] =	vst v0  }
0x10d: {  	[tilespmem:s29+$0x18240] =	vst v3;
	v1 =	vadd.f32 v62, v61  }
0x10e: {  	s26 =	sadd.s32 @!p0 $0x180, s26;
	[tilespmem:s29+$0x18250] =	vst v63  }
0x10f: {  	s24 =	sadd.s32 $0x1, s24;
	s28 =	simm.s32 @!p0 $0x64;
	[tilespmem:s29+$0x18260] =	vst v1;
	s29 =	simm.s32 @!p0 $0xB800  }
0x110: {  	[tilespmem:s29], [sflag:$0x2] =	stream.indirect.gather @!p0 [hbm4b:s2+s28], $0x80, s26, s28, $0xb8;
	[tilespmem:$0x1B400] =	vst v63  }
0x111: {  	p0 =	sne.s32 s24, $0x10  }
.Ltmp4:
0x112: {  	s25 =	sadd.s32 s6, s25;
	(pc) =	sbr.rel @p0 .LBB2_2-.Ltmp4, $3  }
0x113: {  	s25 =	smul.u32 $0xC80, s25;
	_ =	sdelay $0x1  }
0x114: {  	s25 =	sadd.s32 s4, s25  }
0x115: {  	[hbm4b:s25+s5] =	stream.linear.scatter [tilespmem:s20], [sflag:$0x4], $0x6400, $0x38;
	[tilespmem:$0x1B400] =	vst v63  }
0x116: {  	s23 =	sadd.s32 $0x1, s23  }
0x117: {  	_ =	swait.ge [sflag:s21], $0x6400;
	p0 =	sne.s32 s23, s9  }
.Ltmp5:
0x118: {  	[sflag:s21] =	ssyncset.done $0x0;
	(pc) =	sbr.rel @p0 .LBB2_1-.Ltmp5, $4  }
0x119: {  	[sflag:s21] =	ssyncadd.s32 $0xFFFF9C00  }
0x11a: {  	_ =	swait.ge [sflag:s22], $0x6400  }
0x11b: {  	[sflag:s22] =	ssyncset.done $0x0  }
0x11c: {  	[sflag:s22] =	ssyncadd.s32 $0xFFFF9C00  }
0x11d: {  	_ =	sfence.sel $0x180000  }
0x11e: {  	[bflag:$0x0] =	sbarrier.arrive $0xFFFF  }
0x11f: {  	p0 =	sne.s32 s1, $0x0;
	_ =	strace $0x90000047  }
0x120: {  	s0 =	sadd.s32 @!p0 $0x100000, s0;
	[bflag:$0x2] =	sbarrier.arrive $0xFFFF  }
0x121: {  	[sflag:s0] =	ssyncadd.tile.s32 @!p0 $0x1;
	_ =	shalt  }
.Lfunc_end2:
_tile_overlayer_lowered:
.L_overlay_start_2:
0x122: {  	(tag) =	ssettag $0x2  }
0x123: {  	s0 =	rddreg [dreg:$0x0];
	s2 =	stileid.u32  }
0x124: {  	s1 =	rddreg [dreg:$0x1];
	p0 =	sne.s32 s2, $0x0  }
0x125: {  	s3 =	rddreg [dreg:$0x2];
	[bflag:$0x3] =	sbarrier.arrive $0xFFFF;
	s2 =	simm.s32 @!p0 $0x1C05  }
0x126: {  	[timem:s3], [sflag:s2] =	dma.local @!p0 [hbm:s0], s1  }
0x127: {  	s0 =	simm.s32 @!p0 $0x5  }
0x128: {  	_ =	swait.ge @!p0 [sflag:s0], s1  }
0x129: {  	s1 =	ssub.s32 @!p0 $0x0, s1;
	[sflag:s0] =	ssyncset.done @!p0 $0x0  }
0x12a: {  	[sflag:s0] =	ssyncadd.s32 @!p0 s1  }
0x12b: {  	[bflag:$0x3] =	sbarrier.arrive $0xFFFF  }
0x12c: {  	_ =	shalt  }

</sc_bundles>
